<compile_context>
chip_gen: v7x
topology: tpu7x:2x2x1
jax: 0.10.2.dev20260603
libtpu: 0.0.44.dev20260713+nightly
codegen_flags: <defaults>
</compile_context>

<pallas_src>
import functools

import jax
import jax.numpy as jnp
from jax import lax
from jax.experimental import pallas as pl
from jax.experimental.pallas import tpu as pltpu
from jax.experimental.pallas import tpu_sc as plsc

N = 10000
F = 128
H = 64
G = 64
E = 320000

NC, NS = 2, 16
NW = NC * NS
EBLK = 128
NP = 10112
ZR = NP // NS
DUMMY = N

ETOT = E + N
NB = -(-ETOT // (NW * EBLK))
EP = NW * EBLK * NB
EPW = NB * EBLK

def _sc_deg_body(dst_hbm, ones_hbm, z_hbm, out_hbm, dstv, onesv, zv, acc):
    cid = lax.axis_index("c")
    sid = lax.axis_index("s")
    wid = cid * NS + sid
    zbase = sid * ZR
    pltpu.sync_copy(z_hbm, zv)
    pltpu.sync_copy(zv, acc.at[pl.ds(zbase, ZR)])
    pltpu.sync_copy(dst_hbm.at[wid], dstv)
    pltpu.sync_copy(ones_hbm, onesv)
    plsc.subcore_barrier()

    def body(j, carry):
        pltpu.sync_copy(onesv, acc.at[dstv.at[j]], add=True)
        return carry

    lax.fori_loop(0, NB, body, 0, unroll=False)
    plsc.subcore_barrier()
    pltpu.sync_copy(acc.at[pl.ds(zbase, ZR)], out_hbm.at[cid, pl.ds(zbase, ZR)])


def _sc_agg_body(table_hbm, src_hbm, dst_hbm, z_hbm, out_hbm,
                 srcv, dstv, rows, zv, acc, sem):
    cid = lax.axis_index("c")
    sid = lax.axis_index("s")
    wid = cid * NS + sid
    zbase = sid * ZR
    pltpu.sync_copy(z_hbm, zv)
    pltpu.sync_copy(zv, acc.at[pl.ds(zbase, ZR)])
    pltpu.sync_copy(src_hbm.at[wid], srcv)
    pltpu.sync_copy(dst_hbm.at[wid], dstv)
    plsc.subcore_barrier()

    def body(j, carry):
        pltpu.async_copy(table_hbm.at[srcv.at[j]], rows, sem).wait()
        pltpu.sync_copy(rows, acc.at[dstv.at[j]], add=True)
        return carry

    lax.fori_loop(0, NB, body, 0, unroll=False)
    plsc.subcore_barrier()
    pltpu.sync_copy(acc.at[pl.ds(zbase, ZR)], out_hbm.at[cid, pl.ds(zbase, ZR)])


@functools.lru_cache(maxsize=1)
def _sc_kernels():
    mesh = plsc.VectorSubcoreMesh(
        core_axis_name="c", subcore_axis_name="s",
        num_cores=NC, num_subcores=NS)
    params = pltpu.CompilerParams(use_tc_tiling_on_sc=False)
    sc_deg = pl.kernel(
        _sc_deg_body,
        out_type=jax.ShapeDtypeStruct((NC, NP, 16), jnp.float32),
        mesh=mesh,
        compiler_params=params,
        scratch_types=[
            pltpu.VMEM((NB, EBLK), jnp.int32),
            pltpu.VMEM((EBLK, 16), jnp.float32),
            pltpu.VMEM((ZR, 16), jnp.float32),
            pltpu.VMEM_SHARED((NP, 16), jnp.float32),
        ],
    )
    sc_agg = pl.kernel(
        _sc_agg_body,
        out_type=jax.ShapeDtypeStruct((NC, NP, H), jnp.float32),
        mesh=mesh,
        compiler_params=params,
        scratch_types=[
            pltpu.VMEM((NB, EBLK), jnp.int32),
            pltpu.VMEM((NB, EBLK), jnp.int32),
            pltpu.VMEM((EBLK, H), jnp.float32),
            pltpu.VMEM((ZR, H), jnp.float32),
            pltpu.VMEM_SHARED((NP, H), jnp.float32),
            pltpu.SemaphoreType.DMA,
        ],
    )
    return sc_deg, sc_agg


def _tc_prep1_body(x_ref, w1_ref, degp_ref, hn_ref, dinv_ref):
    deg = degp_ref[0, :, 0:1] + degp_ref[1, :, 0:1]
    dinv = jnp.where(deg > 0.0, lax.rsqrt(deg), 0.0)
    h = jnp.dot(x_ref[...].astype(jnp.bfloat16),
                w1_ref[...].astype(jnp.bfloat16),
                preferred_element_type=jnp.float32)
    hn_ref[...] = h * dinv
    dinv_ref[...] = dinv


_tc_prep1 = pl.pallas_call(
    _tc_prep1_body,
    out_shape=(jax.ShapeDtypeStruct((NP, H), jnp.float32),
               jax.ShapeDtypeStruct((NP, 1), jnp.float32)),
)


def _tc_prep2_body(p_ref, dinv_ref, b1_ref, w2_ref, hn_ref):
    dinv = dinv_ref[...]
    t = (p_ref[0] + p_ref[1]) * dinv + b1_ref[...]
    t = jnp.maximum(t, 0.0)
    hn_ref[...] = jnp.dot(t.astype(jnp.bfloat16),
                          w2_ref[...].astype(jnp.bfloat16),
                          preferred_element_type=jnp.float32) * dinv


_tc_prep2 = pl.pallas_call(
    _tc_prep2_body,
    out_shape=jax.ShapeDtypeStruct((NP, H), jnp.float32),
)


def _tc_head_body(p_ref, dinv_ref, b2_ref, batch_ref, wh_ref, bh_ref, out_ref):
    h2 = (p_ref[0] + p_ref[1]) * dinv_ref[...] + b2_ref[...]
    h2 = jnp.maximum(h2, 0.0)
    b = batch_ref[...]
    gids = lax.broadcasted_iota(jnp.int32, (G, 1), 0)
    mask = (b == gids).astype(jnp.float32)
    sums = jnp.dot(mask, h2, preferred_element_type=jnp.float32,
                   precision=lax.Precision.HIGHEST)
    cnt = jnp.sum(mask, axis=1, keepdims=True)
    pooled = sums / jnp.maximum(cnt, 1.0)
    out_ref[...] = (jnp.dot(pooled.astype(jnp.bfloat16),
                            wh_ref[...].astype(jnp.bfloat16),
                            preferred_element_type=jnp.float32) + bh_ref[...])


_tc_head = pl.pallas_call(
    _tc_head_body,
    out_shape=jax.ShapeDtypeStruct((G, 1), jnp.float32),
)


def kernel(x, edge_index, batch, W1, b1, W2, b2, Wh, bh):
    f32 = jnp.float32
    loop = jnp.arange(N, dtype=jnp.int32)
    pad = jnp.full((EP - ETOT,), DUMMY, jnp.int32)
    src3 = jnp.concatenate([edge_index[0].astype(jnp.int32), loop, pad]
                           ).reshape(NW, NB, EBLK)
    dst3 = jnp.concatenate([edge_index[1].astype(jnp.int32), loop, pad]
                           ).reshape(NW, NB, EBLK)

    ones16 = jnp.ones((EBLK, 16), f32)
    z16 = jnp.zeros((ZR, 16), f32)
    zH = jnp.zeros((ZR, H), f32)
    xp = jnp.zeros((NP, F), f32).at[:N].set(x)
    batchp = jnp.full((1, NP), G, jnp.int32).at[0, :N].set(batch)

    sc_deg, sc_agg = _sc_kernels()
    degp = sc_deg(dst3, ones16, z16)
    hn1, dinv = _tc_prep1(xp, W1, degp)
    p1 = sc_agg(hn1, src3, dst3, zH)
    hn2 = _tc_prep2(p1, dinv, b1.reshape(1, H), W2)
    p2 = sc_agg(hn2, src3, dst3, zH)
    out = _tc_head(p2, dinv, b2.reshape(1, H), batchp,
                   Wh, bh.reshape(1, 1))
    return out.reshape(G)

# --- scband reference (transcript-rebuilt; emitter-appended) ---
"""Pipeline reference for scband-gcn-77704548319407 (READ-ONLY COPY).

The authoritative reference and input builder live on the scoring server;
editing this copy changes nothing except your own understanding.
"""

import jax, jax.numpy as jnp
import numpy as np

N = 10000
E = 320000
F = 128
H = 64
G = 64  # number of graphs in the batch


def setup_inputs(seed: int = 0) -> dict:
    key = jax.random.key(seed)
    ks = jax.random.split(key, 10)
    x = jax.random.normal(ks[0], (N, F), dtype=jnp.float32)
    edge_index = jax.random.randint(ks[1], (2, E), 0, N, dtype=jnp.int32)
    batch = jnp.sort(jax.random.randint(ks[2], (N,), 0, G, dtype=jnp.int32))
    W1 = jax.random.normal(ks[3], (F, H), dtype=jnp.float32) / np.sqrt(F)
    b1 = jnp.zeros((H,), dtype=jnp.float32)
    W2 = jax.random.normal(ks[4], (H, H), dtype=jnp.float32) / np.sqrt(H)
    b2 = jnp.zeros((H,), dtype=jnp.float32)
    Wh = jax.random.normal(ks[5], (H, 1), dtype=jnp.float32) / np.sqrt(H)
    bh = jnp.zeros((1,), dtype=jnp.float32)
    return {"x": x, "edge_index": edge_index, "batch": batch,
            "W1": W1, "b1": b1, "W2": W2, "b2": b2, "Wh": Wh, "bh": bh}


def _gcn_conv(x, src, dst, W, b):
    # symmetric-normalized GCN conv (PyG GCNConv semantics, self-loops already in src/dst)
    deg = jnp.zeros((N,), x.dtype).at[dst].add(1.0)
    dinv = jnp.where(deg > 0, jax.lax.rsqrt(deg), 0.0)
    norm = dinv[src] * dinv[dst]
    h = x @ W
    msg = h[src] * norm[:, None]
    out = jnp.zeros((N, W.shape[1]), x.dtype).at[dst].add(msg)
    return out + b


def reference(x, edge_index, batch, W1, b1, W2, b2, Wh, bh):
    loop = jnp.arange(N, dtype=edge_index.dtype)
    src = jnp.concatenate([edge_index[0], loop])
    dst = jnp.concatenate([edge_index[1], loop])
    h = jax.nn.relu(_gcn_conv(x, src, dst, W1, b1))
    h = jax.nn.relu(_gcn_conv(h, src, dst, W2, b2))
    sums = jax.ops.segment_sum(h, batch, num_segments=G)
    cnt = jax.ops.segment_sum(jnp.ones((N,), h.dtype), batch, num_segments=G)
    pooled = sums / jnp.maximum(cnt, 1.0)[:, None]
    out = pooled @ Wh + bh
    return out[:, 0]

if __name__ == "__main__":
    import jax
    _d = setup_inputs()
    print(jax.jit(kernel)(*tuple(_d.values())))

</pallas_src>

<mosaic_0001>
#map = affine_map<(d0, d1) -> (0, 0)>
#map1 = affine_map<(d0, d1) -> (0, 0, 0)>
module attributes {stable_mosaic.version = 14 : i64} {
  func.func @_sc_agg_body(%arg0: i32, %arg1: i32, %arg2: memref<10112x64xf32, #tpu.memory_space<hbm>>, %arg3: memref<32x81x128xi32, #tpu.memory_space<hbm>>, %arg4: memref<32x81x128xi32, #tpu.memory_space<hbm>>, %arg5: memref<632x64xf32, #tpu.memory_space<hbm>>, %arg6: memref<2x10112x64xf32, #tpu.memory_space<hbm>>, %arg7: memref<81x128xi32, #tpu.memory_space<vmem>>, %arg8: memref<81x128xi32, #tpu.memory_space<vmem>>, %arg9: memref<128x64xf32, #tpu.memory_space<vmem>>, %arg10: memref<632x64xf32, #tpu.memory_space<vmem>>, %arg11: memref<10112x64xf32, #tpu.memory_space<vmem_shared>>, %arg12: memref<!tpu.dma_semaphore, #tpu.memory_space<semaphore_mem>>) attributes {dimension_semantics = [#tpu.dimension_semantics<core_parallel>, #tpu.dimension_semantics<subcore_parallel>], iteration_bounds = array<i64: 2, 16>, scalar_prefetch = 0 : i64, scratch_operands = 6 : i64, tpu.core_type = #tpu.core_type<sc_vector_subcore>, window_params = [{transform_indices = #map}, {transform_indices = #map1}, {transform_indices = #map1}, {transform_indices = #map}, {transform_indices = #map1}]} {
    %mul3A = arith.constant 16 : i32
    %mul3A_0 = arith.muli %arg0, %mul3A : i32
    %add3A = arith.addi %mul3A_0, %arg1 : i32
    %mul3A_1 = arith.constant 632 : i32
    %mul3A_2 = arith.muli %arg1, %mul3A_1 : i32
    "tpu.region"() ({
      %run_scoped3A = tpu.sem_alloc : memref<!tpu.dma_semaphore, #tpu.memory_space<semaphore_mem>>
      tpu.enqueue_dma source(%arg5 : memref<632x64xf32, #tpu.memory_space<hbm>>) target(%arg10 : memref<632x64xf32, #tpu.memory_space<vmem>>) target_semaphore(%run_scoped3A : memref<!tpu.dma_semaphore, #tpu.memory_space<semaphore_mem>>)
      tpu.wait_dma2 semaphore(%run_scoped3A : memref<!tpu.dma_semaphore, #tpu.memory_space<semaphore_mem>>) src(%arg5 : memref<632x64xf32, #tpu.memory_space<hbm>>) dst(%arg10 : memref<632x64xf32, #tpu.memory_space<vmem>>)
      tpu.yield
    }) : () -> ()
    "tpu.region"() ({
      %run_scoped3A = tpu.sem_alloc : memref<!tpu.dma_semaphore, #tpu.memory_space<semaphore_mem>>
      %dma_start3A = arith.constant 0 : i32
      %dma_start3A_9 = tpu.memref_slice %arg11[%mul3A_2, %dma_start3A] : memref<10112x64xf32, #tpu.memory_space<vmem_shared>> -> memref<632x64xf32, #tpu.memory_space<vmem_shared>>
      %dma_start3A_10 = arith.constant 0 : i32
      %dma_start3A_11 = tpu.memref_slice %arg11[%mul3A_2, %dma_start3A_10] : memref<10112x64xf32, #tpu.memory_space<vmem_shared>> -> memref<632x64xf32, #tpu.memory_space<vmem_shared>>
      tpu.enqueue_dma source(%arg10 : memref<632x64xf32, #tpu.memory_space<vmem>>) target(%dma_start3A_11 : memref<632x64xf32, #tpu.memory_space<vmem_shared>>) target_semaphore(%run_scoped3A : memref<!tpu.dma_semaphore, #tpu.memory_space<semaphore_mem>>)
      %dma_wait3A = arith.constant 0 : i32
      %dma_wait3A_12 = tpu.memref_slice %arg11[%mul3A_2, %dma_wait3A] : memref<10112x64xf32, #tpu.memory_space<vmem_shared>> -> memref<632x64xf32, #tpu.memory_space<vmem_shared>>
      %dma_wait3A_13 = arith.constant 0 : i32
      %dma_wait3A_14 = tpu.memref_slice %arg11[%mul3A_2, %dma_wait3A_13] : memref<10112x64xf32, #tpu.memory_space<vmem_shared>> -> memref<632x64xf32, #tpu.memory_space<vmem_shared>>
      tpu.wait_dma2 semaphore(%run_scoped3A : memref<!tpu.dma_semaphore, #tpu.memory_space<semaphore_mem>>) src(%arg10 : memref<632x64xf32, #tpu.memory_space<vmem>>) dst(%dma_wait3A_14 : memref<632x64xf32, #tpu.memory_space<vmem_shared>>)
      tpu.yield
    }) : () -> ()
    "tpu.region"() ({
      %run_scoped3A = tpu.sem_alloc : memref<!tpu.dma_semaphore, #tpu.memory_space<semaphore_mem>>
      %dma_start3A = arith.constant 0 : i32
      %dma_start3A_9 = arith.constant 0 : i32
      %dma_start3A_10 = tpu.memref_slice %arg3[%add3A, %dma_start3A, %dma_start3A_9] : memref<32x81x128xi32, #tpu.memory_space<hbm>> -> memref<1x81x128xi32, #tpu.memory_space<hbm>>
      %dma_start3A_11 = tpu.memref_squeeze %dma_start3A_10 : memref<1x81x128xi32, #tpu.memory_space<hbm>> -> memref<81x128xi32, #tpu.memory_space<hbm>>
      %dma_start3A_12 = arith.constant 0 : i32
      %dma_start3A_13 = arith.constant 0 : i32
      %dma_start3A_14 = tpu.memref_slice %arg3[%add3A, %dma_start3A_12, %dma_start3A_13] : memref<32x81x128xi32, #tpu.memory_space<hbm>> -> memref<1x81x128xi32, #tpu.memory_space<hbm>>
      %dma_start3A_15 = tpu.memref_squeeze %dma_start3A_14 : memref<1x81x128xi32, #tpu.memory_space<hbm>> -> memref<81x128xi32, #tpu.memory_space<hbm>>
      tpu.enqueue_dma source(%dma_start3A_15 : memref<81x128xi32, #tpu.memory_space<hbm>>) target(%arg7 : memref<81x128xi32, #tpu.memory_space<vmem>>) target_semaphore(%run_scoped3A : memref<!tpu.dma_semaphore, #tpu.memory_space<semaphore_mem>>)
      %dma_wait3A = arith.constant 0 : i32
      %dma_wait3A_16 = arith.constant 0 : i32
      %dma_wait3A_17 = tpu.memref_slice %arg3[%add3A, %dma_wait3A, %dma_wait3A_16] : memref<32x81x128xi32, #tpu.memory_space<hbm>> -> memref<1x81x128xi32, #tpu.memory_space<hbm>>
      %dma_wait3A_18 = tpu.memref_squeeze %dma_wait3A_17 : memref<1x81x128xi32, #tpu.memory_space<hbm>> -> memref<81x128xi32, #tpu.memory_space<hbm>>
      %dma_wait3A_19 = arith.constant 0 : i32
      %dma_wait3A_20 = arith.constant 0 : i32
      %dma_wait3A_21 = tpu.memref_slice %arg3[%add3A, %dma_wait3A_19, %dma_wait3A_20] : memref<32x81x128xi32, #tpu.memory_space<hbm>> -> memref<1x81x128xi32, #tpu.memory_space<hbm>>
      %dma_wait3A_22 = tpu.memref_squeeze %dma_wait3A_21 : memref<1x81x128xi32, #tpu.memory_space<hbm>> -> memref<81x128xi32, #tpu.memory_space<hbm>>
      tpu.wait_dma2 semaphore(%run_scoped3A : memref<!tpu.dma_semaphore, #tpu.memory_space<semaphore_mem>>) src(%dma_wait3A_22 : memref<81x128xi32, #tpu.memory_space<hbm>>) dst(%arg7 : memref<81x128xi32, #tpu.memory_space<vmem>>)
      tpu.yield
    }) : () -> ()
    "tpu.region"() ({
      %run_scoped3A = tpu.sem_alloc : memref<!tpu.dma_semaphore, #tpu.memory_space<semaphore_mem>>
      %dma_start3A = arith.constant 0 : i32
      %dma_start3A_9 = arith.constant 0 : i32
      %dma_start3A_10 = tpu.memref_slice %arg4[%add3A, %dma_start3A, %dma_start3A_9] : memref<32x81x128xi32, #tpu.memory_space<hbm>> -> memref<1x81x128xi32, #tpu.memory_space<hbm>>
      %dma_start3A_11 = tpu.memref_squeeze %dma_start3A_10 : memref<1x81x128xi32, #tpu.memory_space<hbm>> -> memref<81x128xi32, #tpu.memory_space<hbm>>
      %dma_start3A_12 = arith.constant 0 : i32
      %dma_start3A_13 = arith.constant 0 : i32
      %dma_start3A_14 = tpu.memref_slice %arg4[%add3A, %dma_start3A_12, %dma_start3A_13] : memref<32x81x128xi32, #tpu.memory_space<hbm>> -> memref<1x81x128xi32, #tpu.memory_space<hbm>>
      %dma_start3A_15 = tpu.memref_squeeze %dma_start3A_14 : memref<1x81x128xi32, #tpu.memory_space<hbm>> -> memref<81x128xi32, #tpu.memory_space<hbm>>
      tpu.enqueue_dma source(%dma_start3A_15 : memref<81x128xi32, #tpu.memory_space<hbm>>) target(%arg8 : memref<81x128xi32, #tpu.memory_space<vmem>>) target_semaphore(%run_scoped3A : memref<!tpu.dma_semaphore, #tpu.memory_space<semaphore_mem>>)
      %dma_wait3A = arith.constant 0 : i32
      %dma_wait3A_16 = arith.constant 0 : i32
      %dma_wait3A_17 = tpu.memref_slice %arg4[%add3A, %dma_wait3A, %dma_wait3A_16] : memref<32x81x128xi32, #tpu.memory_space<hbm>> -> memref<1x81x128xi32, #tpu.memory_space<hbm>>
      %dma_wait3A_18 = tpu.memref_squeeze %dma_wait3A_17 : memref<1x81x128xi32, #tpu.memory_space<hbm>> -> memref<81x128xi32, #tpu.memory_space<hbm>>
      %dma_wait3A_19 = arith.constant 0 : i32
      %dma_wait3A_20 = arith.constant 0 : i32
      %dma_wait3A_21 = tpu.memref_slice %arg4[%add3A, %dma_wait3A_19, %dma_wait3A_20] : memref<32x81x128xi32, #tpu.memory_space<hbm>> -> memref<1x81x128xi32, #tpu.memory_space<hbm>>
      %dma_wait3A_22 = tpu.memref_squeeze %dma_wait3A_21 : memref<1x81x128xi32, #tpu.memory_space<hbm>> -> memref<81x128xi32, #tpu.memory_space<hbm>>
      tpu.wait_dma2 semaphore(%run_scoped3A : memref<!tpu.dma_semaphore, #tpu.memory_space<semaphore_mem>>) src(%dma_wait3A_22 : memref<81x128xi32, #tpu.memory_space<hbm>>) dst(%arg8 : memref<81x128xi32, #tpu.memory_space<vmem>>)
      tpu.yield
    }) : () -> ()
    %barrier3A = arith.constant 0 : index
    tpu.barrier barrier_id(%barrier3A)
    %scan3A = arith.constant 0 : i32
    %scan3A_3 = arith.constant 0 : i32
    %scan3A_4 = arith.constant 81 : i32
    %scan3A_5 = arith.addi %scan3A_3, %scan3A_4 : i32
    %scan3A_6 = arith.constant 1 : i32
    scf.for %scan3A_9 = %scan3A_3 to %scan3A_5 step %scan3A_6  : i32 {
      %dma_start3A = arith.constant 0 : i32
      %dma_start3A_10 = tpu.memref_slice %arg7[%scan3A_9, %dma_start3A] : memref<81x128xi32, #tpu.memory_space<vmem>> -> memref<1x128xi32, #tpu.memory_space<vmem>>
      %dma_start3A_11 = tpu.memref_squeeze %dma_start3A_10 : memref<1x128xi32, #tpu.memory_space<vmem>> -> memref<128xi32, #tpu.memory_space<vmem>>
      %dma_start3A_12 = arith.constant 0 : i32
      %dma_start3A_13 = arith.constant 0 : i32
      %dma_start3A_14 = tpu.memref_slice %arg2[%dma_start3A_12, %dma_start3A_13] : memref<10112x64xf32, #tpu.memory_space<hbm>> -> memref<10112x64xf32, #tpu.memory_space<hbm>>
      tpu.enqueue_indirect_dma source(%dma_start3A_14 : memref<10112x64xf32, #tpu.memory_space<hbm>>) target(%arg9 : memref<128x64xf32, #tpu.memory_space<vmem>>) offsets(%dma_start3A_11 : memref<128xi32, #tpu.memory_space<vmem>>) semaphore(%arg12 : memref<!tpu.dma_semaphore, #tpu.memory_space<semaphore_mem>>)
      %dma_wait3A = arith.constant 0 : i32
      %dma_wait3A_15 = tpu.memref_slice %arg7[%scan3A_9, %dma_wait3A] : memref<81x128xi32, #tpu.memory_space<vmem>> -> memref<1x128xi32, #tpu.memory_space<vmem>>
      %dma_wait3A_16 = tpu.memref_squeeze %dma_wait3A_15 : memref<1x128xi32, #tpu.memory_space<vmem>> -> memref<128xi32, #tpu.memory_space<vmem>>
      %dma_wait3A_17 = arith.constant 0 : i32
      %dma_wait3A_18 = arith.constant 0 : i32
      %dma_wait3A_19 = tpu.memref_slice %arg2[%dma_wait3A_17, %dma_wait3A_18] : memref<10112x64xf32, #tpu.memory_space<hbm>> -> memref<10112x64xf32, #tpu.memory_space<hbm>>
      tpu.wait_indirect_dma semaphore(%arg12 : memref<!tpu.dma_semaphore, #tpu.memory_space<semaphore_mem>>) src(%dma_wait3A_19 : memref<10112x64xf32, #tpu.memory_space<hbm>>) dst(%arg9 : memref<128x64xf32, #tpu.memory_space<vmem>>)
      "tpu.region"() ({
        %run_scoped3A = tpu.sem_alloc : memref<!tpu.dma_semaphore, #tpu.memory_space<semaphore_mem>>
        %dma_start3A_20 = arith.constant 0 : i32
        %dma_start3A_21 = tpu.memref_slice %arg8[%scan3A_9, %dma_start3A_20] : memref<81x128xi32, #tpu.memory_space<vmem>> -> memref<1x128xi32, #tpu.memory_space<vmem>>
        %dma_start3A_22 = tpu.memref_squeeze %dma_start3A_21 : memref<1x128xi32, #tpu.memory_space<vmem>> -> memref<128xi32, #tpu.memory_space<vmem>>
        %dma_start3A_23 = arith.constant 0 : i32
        %dma_start3A_24 = arith.constant 0 : i32
        %dma_start3A_25 = tpu.memref_slice %arg11[%dma_start3A_23, %dma_start3A_24] : memref<10112x64xf32, #tpu.memory_space<vmem_shared>> -> memref<10112x64xf32, #tpu.memory_space<vmem_shared>>
        tpu.enqueue_indirect_dma source(%arg9 : memref<128x64xf32, #tpu.memory_space<vmem>>) target(%dma_start3A_25 : memref<10112x64xf32, #tpu.memory_space<vmem_shared>>) offsets(%dma_start3A_22 : memref<128xi32, #tpu.memory_space<vmem>>) semaphore(%run_scoped3A : memref<!tpu.dma_semaphore, #tpu.memory_space<semaphore_mem>>) {add = true}
        %dma_wait3A_26 = arith.constant 0 : i32
        %dma_wait3A_27 = tpu.memref_slice %arg8[%scan3A_9, %dma_wait3A_26] : memref<81x128xi32, #tpu.memory_space<vmem>> -> memref<1x128xi32, #tpu.memory_space<vmem>>
        %dma_wait3A_28 = tpu.memref_squeeze %dma_wait3A_27 : memref<1x128xi32, #tpu.memory_space<vmem>> -> memref<128xi32, #tpu.memory_space<vmem>>
        %dma_wait3A_29 = arith.constant 0 : i32
        %dma_wait3A_30 = arith.constant 0 : i32
        %dma_wait3A_31 = tpu.memref_slice %arg11[%dma_wait3A_29, %dma_wait3A_30] : memref<10112x64xf32, #tpu.memory_space<vmem_shared>> -> memref<10112x64xf32, #tpu.memory_space<vmem_shared>>
        tpu.wait_indirect_dma semaphore(%run_scoped3A : memref<!tpu.dma_semaphore, #tpu.memory_space<semaphore_mem>>) src(%arg9 : memref<128x64xf32, #tpu.memory_space<vmem>>) dst(%dma_wait3A_31 : memref<10112x64xf32, #tpu.memory_space<vmem_shared>>)
        tpu.yield
      }) : () -> ()
    }
    %scan3A_7 = arith.constant 81 : i32
    %barrier3A_8 = arith.constant 0 : index
    tpu.barrier barrier_id(%barrier3A_8)
    "tpu.region"() ({
      %run_scoped3A = tpu.sem_alloc : memref<!tpu.dma_semaphore, #tpu.memory_space<semaphore_mem>>
      %dma_start3A = arith.constant 0 : i32
      %dma_start3A_9 = tpu.memref_slice %arg6[%arg0, %mul3A_2, %dma_start3A] : memref<2x10112x64xf32, #tpu.memory_space<hbm>> -> memref<1x632x64xf32, #tpu.memory_space<hbm>>
      %dma_start3A_10 = tpu.memref_squeeze %dma_start3A_9 : memref<1x632x64xf32, #tpu.memory_space<hbm>> -> memref<632x64xf32, #tpu.memory_space<hbm>>
      %dma_start3A_11 = arith.constant 0 : i32
      %dma_start3A_12 = tpu.memref_slice %arg11[%mul3A_2, %dma_start3A_11] : memref<10112x64xf32, #tpu.memory_space<vmem_shared>> -> memref<632x64xf32, #tpu.memory_space<vmem_shared>>
      tpu.enqueue_dma source(%dma_start3A_12 : memref<632x64xf32, #tpu.memory_space<vmem_shared>>) target(%dma_start3A_10 : memref<632x64xf32, #tpu.memory_space<hbm>>) target_semaphore(%run_scoped3A : memref<!tpu.dma_semaphore, #tpu.memory_space<semaphore_mem>>)
      %dma_wait3A = arith.constant 0 : i32
      %dma_wait3A_13 = tpu.memref_slice %arg6[%arg0, %mul3A_2, %dma_wait3A] : memref<2x10112x64xf32, #tpu.memory_space<hbm>> -> memref<1x632x64xf32, #tpu.memory_space<hbm>>
      %dma_wait3A_14 = tpu.memref_squeeze %dma_wait3A_13 : memref<1x632x64xf32, #tpu.memory_space<hbm>> -> memref<632x64xf32, #tpu.memory_space<hbm>>
      %dma_wait3A_15 = arith.constant 0 : i32
      %dma_wait3A_16 = tpu.memref_slice %arg11[%mul3A_2, %dma_wait3A_15] : memref<10112x64xf32, #tpu.memory_space<vmem_shared>> -> memref<632x64xf32, #tpu.memory_space<vmem_shared>>
      tpu.wait_dma2 semaphore(%run_scoped3A : memref<!tpu.dma_semaphore, #tpu.memory_space<semaphore_mem>>) src(%dma_wait3A_16 : memref<632x64xf32, #tpu.memory_space<vmem_shared>>) dst(%dma_wait3A_14 : memref<632x64xf32, #tpu.memory_space<hbm>>)
      tpu.yield
    }) : () -> ()
    return
  }
}

#map = affine_map<(d0, d1) -> (0, 0, 0)>
#map1 = affine_map<(d0, d1) -> (0, 0)>
module attributes {stable_mosaic.version = 14 : i64} {
  func.func @_sc_deg_body(%arg0: i32, %arg1: i32, %arg2: memref<32x81x128xi32, #tpu.memory_space<hbm>>, %arg3: memref<128x16xf32, #tpu.memory_space<hbm>>, %arg4: memref<632x16xf32, #tpu.memory_space<hbm>>, %arg5: memref<2x10112x16xf32, #tpu.memory_space<hbm>>, %arg6: memref<81x128xi32, #tpu.memory_space<vmem>>, %arg7: memref<128x16xf32, #tpu.memory_space<vmem>>, %arg8: memref<632x16xf32, #tpu.memory_space<vmem>>, %arg9: memref<10112x16xf32, #tpu.memory_space<vmem_shared>>) attributes {dimension_semantics = [#tpu.dimension_semantics<core_parallel>, #tpu.dimension_semantics<subcore_parallel>], iteration_bounds = array<i64: 2, 16>, scalar_prefetch = 0 : i64, scratch_operands = 4 : i64, tpu.core_type = #tpu.core_type<sc_vector_subcore>, window_params = [{transform_indices = #map}, {transform_indices = #map1}, {transform_indices = #map1}, {transform_indices = #map}]} {
    %mul3A = arith.constant 16 : i32
    %mul3A_0 = arith.muli %arg0, %mul3A : i32
    %add3A = arith.addi %mul3A_0, %arg1 : i32
    %mul3A_1 = arith.constant 632 : i32
    %mul3A_2 = arith.muli %arg1, %mul3A_1 : i32
    "tpu.region"() ({
      %run_scoped3A = tpu.sem_alloc : memref<!tpu.dma_semaphore, #tpu.memory_space<semaphore_mem>>
      tpu.enqueue_dma source(%arg4 : memref<632x16xf32, #tpu.memory_space<hbm>>) target(%arg8 : memref<632x16xf32, #tpu.memory_space<vmem>>) target_semaphore(%run_scoped3A : memref<!tpu.dma_semaphore, #tpu.memory_space<semaphore_mem>>)
      tpu.wait_dma2 semaphore(%run_scoped3A : memref<!tpu.dma_semaphore, #tpu.memory_space<semaphore_mem>>) src(%arg4 : memref<632x16xf32, #tpu.memory_space<hbm>>) dst(%arg8 : memref<632x16xf32, #tpu.memory_space<vmem>>)
      tpu.yield
    }) : () -> ()
    "tpu.region"() ({
      %run_scoped3A = tpu.sem_alloc : memref<!tpu.dma_semaphore, #tpu.memory_space<semaphore_mem>>
      %dma_start3A = arith.constant 0 : i32
      %dma_start3A_9 = tpu.memref_slice %arg9[%mul3A_2, %dma_start3A] : memref<10112x16xf32, #tpu.memory_space<vmem_shared>> -> memref<632x16xf32, #tpu.memory_space<vmem_shared>>
      %dma_start3A_10 = arith.constant 0 : i32
      %dma_start3A_11 = tpu.memref_slice %arg9[%mul3A_2, %dma_start3A_10] : memref<10112x16xf32, #tpu.memory_space<vmem_shared>> -> memref<632x16xf32, #tpu.memory_space<vmem_shared>>
      tpu.enqueue_dma source(%arg8 : memref<632x16xf32, #tpu.memory_space<vmem>>) target(%dma_start3A_11 : memref<632x16xf32, #tpu.memory_space<vmem_shared>>) target_semaphore(%run_scoped3A : memref<!tpu.dma_semaphore, #tpu.memory_space<semaphore_mem>>)
      %dma_wait3A = arith.constant 0 : i32
      %dma_wait3A_12 = tpu.memref_slice %arg9[%mul3A_2, %dma_wait3A] : memref<10112x16xf32, #tpu.memory_space<vmem_shared>> -> memref<632x16xf32, #tpu.memory_space<vmem_shared>>
      %dma_wait3A_13 = arith.constant 0 : i32
      %dma_wait3A_14 = tpu.memref_slice %arg9[%mul3A_2, %dma_wait3A_13] : memref<10112x16xf32, #tpu.memory_space<vmem_shared>> -> memref<632x16xf32, #tpu.memory_space<vmem_shared>>
      tpu.wait_dma2 semaphore(%run_scoped3A : memref<!tpu.dma_semaphore, #tpu.memory_space<semaphore_mem>>) src(%arg8 : memref<632x16xf32, #tpu.memory_space<vmem>>) dst(%dma_wait3A_14 : memref<632x16xf32, #tpu.memory_space<vmem_shared>>)
      tpu.yield
    }) : () -> ()
    "tpu.region"() ({
      %run_scoped3A = tpu.sem_alloc : memref<!tpu.dma_semaphore, #tpu.memory_space<semaphore_mem>>
      %dma_start3A = arith.constant 0 : i32
      %dma_start3A_9 = arith.constant 0 : i32
      %dma_start3A_10 = tpu.memref_slice %arg2[%add3A, %dma_start3A, %dma_start3A_9] : memref<32x81x128xi32, #tpu.memory_space<hbm>> -> memref<1x81x128xi32, #tpu.memory_space<hbm>>
      %dma_start3A_11 = tpu.memref_squeeze %dma_start3A_10 : memref<1x81x128xi32, #tpu.memory_space<hbm>> -> memref<81x128xi32, #tpu.memory_space<hbm>>
      %dma_start3A_12 = arith.constant 0 : i32
      %dma_start3A_13 = arith.constant 0 : i32
      %dma_start3A_14 = tpu.memref_slice %arg2[%add3A, %dma_start3A_12, %dma_start3A_13] : memref<32x81x128xi32, #tpu.memory_space<hbm>> -> memref<1x81x128xi32, #tpu.memory_space<hbm>>
      %dma_start3A_15 = tpu.memref_squeeze %dma_start3A_14 : memref<1x81x128xi32, #tpu.memory_space<hbm>> -> memref<81x128xi32, #tpu.memory_space<hbm>>
      tpu.enqueue_dma source(%dma_start3A_15 : memref<81x128xi32, #tpu.memory_space<hbm>>) target(%arg6 : memref<81x128xi32, #tpu.memory_space<vmem>>) target_semaphore(%run_scoped3A : memref<!tpu.dma_semaphore, #tpu.memory_space<semaphore_mem>>)
      %dma_wait3A = arith.constant 0 : i32
      %dma_wait3A_16 = arith.constant 0 : i32
      %dma_wait3A_17 = tpu.memref_slice %arg2[%add3A, %dma_wait3A, %dma_wait3A_16] : memref<32x81x128xi32, #tpu.memory_space<hbm>> -> memref<1x81x128xi32, #tpu.memory_space<hbm>>
      %dma_wait3A_18 = tpu.memref_squeeze %dma_wait3A_17 : memref<1x81x128xi32, #tpu.memory_space<hbm>> -> memref<81x128xi32, #tpu.memory_space<hbm>>
      %dma_wait3A_19 = arith.constant 0 : i32
      %dma_wait3A_20 = arith.constant 0 : i32
      %dma_wait3A_21 = tpu.memref_slice %arg2[%add3A, %dma_wait3A_19, %dma_wait3A_20] : memref<32x81x128xi32, #tpu.memory_space<hbm>> -> memref<1x81x128xi32, #tpu.memory_space<hbm>>
      %dma_wait3A_22 = tpu.memref_squeeze %dma_wait3A_21 : memref<1x81x128xi32, #tpu.memory_space<hbm>> -> memref<81x128xi32, #tpu.memory_space<hbm>>
      tpu.wait_dma2 semaphore(%run_scoped3A : memref<!tpu.dma_semaphore, #tpu.memory_space<semaphore_mem>>) src(%dma_wait3A_22 : memref<81x128xi32, #tpu.memory_space<hbm>>) dst(%arg6 : memref<81x128xi32, #tpu.memory_space<vmem>>)
      tpu.yield
    }) : () -> ()
    "tpu.region"() ({
      %run_scoped3A = tpu.sem_alloc : memref<!tpu.dma_semaphore, #tpu.memory_space<semaphore_mem>>
      tpu.enqueue_dma source(%arg3 : memref<128x16xf32, #tpu.memory_space<hbm>>) target(%arg7 : memref<128x16xf32, #tpu.memory_space<vmem>>) target_semaphore(%run_scoped3A : memref<!tpu.dma_semaphore, #tpu.memory_space<semaphore_mem>>)
      tpu.wait_dma2 semaphore(%run_scoped3A : memref<!tpu.dma_semaphore, #tpu.memory_space<semaphore_mem>>) src(%arg3 : memref<128x16xf32, #tpu.memory_space<hbm>>) dst(%arg7 : memref<128x16xf32, #tpu.memory_space<vmem>>)
      tpu.yield
    }) : () -> ()
    %barrier3A = arith.constant 0 : index
    tpu.barrier barrier_id(%barrier3A)
    %scan3A = arith.constant 0 : i32
    %scan3A_3 = arith.constant 0 : i32
    %scan3A_4 = arith.constant 81 : i32
    %scan3A_5 = arith.addi %scan3A_3, %scan3A_4 : i32
    %scan3A_6 = arith.constant 1 : i32
    scf.for %scan3A_9 = %scan3A_3 to %scan3A_5 step %scan3A_6  : i32 {
      "tpu.region"() ({
        %run_scoped3A = tpu.sem_alloc : memref<!tpu.dma_semaphore, #tpu.memory_space<semaphore_mem>>
        %dma_start3A = arith.constant 0 : i32
        %dma_start3A_10 = tpu.memref_slice %arg6[%scan3A_9, %dma_start3A] : memref<81x128xi32, #tpu.memory_space<vmem>> -> memref<1x128xi32, #tpu.memory_space<vmem>>
        %dma_start3A_11 = tpu.memref_squeeze %dma_start3A_10 : memref<1x128xi32, #tpu.memory_space<vmem>> -> memref<128xi32, #tpu.memory_space<vmem>>
        %dma_start3A_12 = arith.constant 0 : i32
        %dma_start3A_13 = arith.constant 0 : i32
        %dma_start3A_14 = tpu.memref_slice %arg9[%dma_start3A_12, %dma_start3A_13] : memref<10112x16xf32, #tpu.memory_space<vmem_shared>> -> memref<10112x16xf32, #tpu.memory_space<vmem_shared>>
        tpu.enqueue_indirect_dma source(%arg7 : memref<128x16xf32, #tpu.memory_space<vmem>>) target(%dma_start3A_14 : memref<10112x16xf32, #tpu.memory_space<vmem_shared>>) offsets(%dma_start3A_11 : memref<128xi32, #tpu.memory_space<vmem>>) semaphore(%run_scoped3A : memref<!tpu.dma_semaphore, #tpu.memory_space<semaphore_mem>>) {add = true}
        %dma_wait3A = arith.constant 0 : i32
        %dma_wait3A_15 = tpu.memref_slice %arg6[%scan3A_9, %dma_wait3A] : memref<81x128xi32, #tpu.memory_space<vmem>> -> memref<1x128xi32, #tpu.memory_space<vmem>>
        %dma_wait3A_16 = tpu.memref_squeeze %dma_wait3A_15 : memref<1x128xi32, #tpu.memory_space<vmem>> -> memref<128xi32, #tpu.memory_space<vmem>>
        %dma_wait3A_17 = arith.constant 0 : i32
        %dma_wait3A_18 = arith.constant 0 : i32
        %dma_wait3A_19 = tpu.memref_slice %arg9[%dma_wait3A_17, %dma_wait3A_18] : memref<10112x16xf32, #tpu.memory_space<vmem_shared>> -> memref<10112x16xf32, #tpu.memory_space<vmem_shared>>
        tpu.wait_indirect_dma semaphore(%run_scoped3A : memref<!tpu.dma_semaphore, #tpu.memory_space<semaphore_mem>>) src(%arg7 : memref<128x16xf32, #tpu.memory_space<vmem>>) dst(%dma_wait3A_19 : memref<10112x16xf32, #tpu.memory_space<vmem_shared>>)
        tpu.yield
      }) : () -> ()
    }
    %scan3A_7 = arith.constant 81 : i32
    %barrier3A_8 = arith.constant 0 : index
    tpu.barrier barrier_id(%barrier3A_8)
    "tpu.region"() ({
      %run_scoped3A = tpu.sem_alloc : memref<!tpu.dma_semaphore, #tpu.memory_space<semaphore_mem>>
      %dma_start3A = arith.constant 0 : i32
      %dma_start3A_9 = tpu.memref_slice %arg5[%arg0, %mul3A_2, %dma_start3A] : memref<2x10112x16xf32, #tpu.memory_space<hbm>> -> memref<1x632x16xf32, #tpu.memory_space<hbm>>
      %dma_start3A_10 = tpu.memref_squeeze %dma_start3A_9 : memref<1x632x16xf32, #tpu.memory_space<hbm>> -> memref<632x16xf32, #tpu.memory_space<hbm>>
      %dma_start3A_11 = arith.constant 0 : i32
      %dma_start3A_12 = tpu.memref_slice %arg9[%mul3A_2, %dma_start3A_11] : memref<10112x16xf32, #tpu.memory_space<vmem_shared>> -> memref<632x16xf32, #tpu.memory_space<vmem_shared>>
      tpu.enqueue_dma source(%dma_start3A_12 : memref<632x16xf32, #tpu.memory_space<vmem_shared>>) target(%dma_start3A_10 : memref<632x16xf32, #tpu.memory_space<hbm>>) target_semaphore(%run_scoped3A : memref<!tpu.dma_semaphore, #tpu.memory_space<semaphore_mem>>)
      %dma_wait3A = arith.constant 0 : i32
      %dma_wait3A_13 = tpu.memref_slice %arg5[%arg0, %mul3A_2, %dma_wait3A] : memref<2x10112x16xf32, #tpu.memory_space<hbm>> -> memref<1x632x16xf32, #tpu.memory_space<hbm>>
      %dma_wait3A_14 = tpu.memref_squeeze %dma_wait3A_13 : memref<1x632x16xf32, #tpu.memory_space<hbm>> -> memref<632x16xf32, #tpu.memory_space<hbm>>
      %dma_wait3A_15 = arith.constant 0 : i32
      %dma_wait3A_16 = tpu.memref_slice %arg9[%mul3A_2, %dma_wait3A_15] : memref<10112x16xf32, #tpu.memory_space<vmem_shared>> -> memref<632x16xf32, #tpu.memory_space<vmem_shared>>
      tpu.wait_dma2 semaphore(%run_scoped3A : memref<!tpu.dma_semaphore, #tpu.memory_space<semaphore_mem>>) src(%dma_wait3A_16 : memref<632x16xf32, #tpu.memory_space<vmem_shared>>) dst(%dma_wait3A_14 : memref<632x16xf32, #tpu.memory_space<hbm>>)
      tpu.yield
    }) : () -> ()
    return
  }
}

#map = affine_map<(d0, d1) -> (0, 0)>
#map1 = affine_map<(d0, d1) -> (0, 0, 0)>
module attributes {stable_mosaic.version = 14 : i64} {
  func.func @_sc_agg_body(%arg0: i32, %arg1: i32, %arg2: memref<10112x64xf32, #tpu.memory_space<hbm>>, %arg3: memref<32x81x128xi32, #tpu.memory_space<hbm>>, %arg4: memref<32x81x128xi32, #tpu.memory_space<hbm>>, %arg5: memref<632x64xf32, #tpu.memory_space<hbm>>, %arg6: memref<2x10112x64xf32, #tpu.memory_space<hbm>>, %arg7: memref<81x128xi32, #tpu.memory_space<vmem>>, %arg8: memref<81x128xi32, #tpu.memory_space<vmem>>, %arg9: memref<128x64xf32, #tpu.memory_space<vmem>>, %arg10: memref<632x64xf32, #tpu.memory_space<vmem>>, %arg11: memref<10112x64xf32, #tpu.memory_space<vmem_shared>>, %arg12: memref<!tpu.dma_semaphore, #tpu.memory_space<semaphore_mem>>) attributes {dimension_semantics = [#tpu.dimension_semantics<core_parallel>, #tpu.dimension_semantics<subcore_parallel>], iteration_bounds = array<i64: 2, 16>, scalar_prefetch = 0 : i64, scratch_operands = 6 : i64, tpu.core_type = #tpu.core_type<sc_vector_subcore>, window_params = [{transform_indices = #map}, {transform_indices = #map1}, {transform_indices = #map1}, {transform_indices = #map}, {transform_indices = #map1}]} {
    %mul3A = arith.constant 16 : i32
    %mul3A_0 = arith.muli %arg0, %mul3A : i32
    %add3A = arith.addi %mul3A_0, %arg1 : i32
    %mul3A_1 = arith.constant 632 : i32
    %mul3A_2 = arith.muli %arg1, %mul3A_1 : i32
    "tpu.region"() ({
      %run_scoped3A = tpu.sem_alloc : memref<!tpu.dma_semaphore, #tpu.memory_space<semaphore_mem>>
      tpu.enqueue_dma source(%arg5 : memref<632x64xf32, #tpu.memory_space<hbm>>) target(%arg10 : memref<632x64xf32, #tpu.memory_space<vmem>>) target_semaphore(%run_scoped3A : memref<!tpu.dma_semaphore, #tpu.memory_space<semaphore_mem>>)
      tpu.wait_dma2 semaphore(%run_scoped3A : memref<!tpu.dma_semaphore, #tpu.memory_space<semaphore_mem>>) src(%arg5 : memref<632x64xf32, #tpu.memory_space<hbm>>) dst(%arg10 : memref<632x64xf32, #tpu.memory_space<vmem>>)
      tpu.yield
    }) : () -> ()
    "tpu.region"() ({
      %run_scoped3A = tpu.sem_alloc : memref<!tpu.dma_semaphore, #tpu.memory_space<semaphore_mem>>
      %dma_start3A = arith.constant 0 : i32
      %dma_start3A_9 = tpu.memref_slice %arg11[%mul3A_2, %dma_start3A] : memref<10112x64xf32, #tpu.memory_space<vmem_shared>> -> memref<632x64xf32, #tpu.memory_space<vmem_shared>>
      %dma_start3A_10 = arith.constant 0 : i32
      %dma_start3A_11 = tpu.memref_slice %arg11[%mul3A_2, %dma_start3A_10] : memref<10112x64xf32, #tpu.memory_space<vmem_shared>> -> memref<632x64xf32, #tpu.memory_space<vmem_shared>>
      tpu.enqueue_dma source(%arg10 : memref<632x64xf32, #tpu.memory_space<vmem>>) target(%dma_start3A_11 : memref<632x64xf32, #tpu.memory_space<vmem_shared>>) target_semaphore(%run_scoped3A : memref<!tpu.dma_semaphore, #tpu.memory_space<semaphore_mem>>)
      %dma_wait3A = arith.constant 0 : i32
      %dma_wait3A_12 = tpu.memref_slice %arg11[%mul3A_2, %dma_wait3A] : memref<10112x64xf32, #tpu.memory_space<vmem_shared>> -> memref<632x64xf32, #tpu.memory_space<vmem_shared>>
      %dma_wait3A_13 = arith.constant 0 : i32
      %dma_wait3A_14 = tpu.memref_slice %arg11[%mul3A_2, %dma_wait3A_13] : memref<10112x64xf32, #tpu.memory_space<vmem_shared>> -> memref<632x64xf32, #tpu.memory_space<vmem_shared>>
      tpu.wait_dma2 semaphore(%run_scoped3A : memref<!tpu.dma_semaphore, #tpu.memory_space<semaphore_mem>>) src(%arg10 : memref<632x64xf32, #tpu.memory_space<vmem>>) dst(%dma_wait3A_14 : memref<632x64xf32, #tpu.memory_space<vmem_shared>>)
      tpu.yield
    }) : () -> ()
    "tpu.region"() ({
      %run_scoped3A = tpu.sem_alloc : memref<!tpu.dma_semaphore, #tpu.memory_space<semaphore_mem>>
      %dma_start3A = arith.constant 0 : i32
      %dma_start3A_9 = arith.constant 0 : i32
      %dma_start3A_10 = tpu.memref_slice %arg3[%add3A, %dma_start3A, %dma_start3A_9] : memref<32x81x128xi32, #tpu.memory_space<hbm>> -> memref<1x81x128xi32, #tpu.memory_space<hbm>>
      %dma_start3A_11 = tpu.memref_squeeze %dma_start3A_10 : memref<1x81x128xi32, #tpu.memory_space<hbm>> -> memref<81x128xi32, #tpu.memory_space<hbm>>
      %dma_start3A_12 = arith.constant 0 : i32
      %dma_start3A_13 = arith.constant 0 : i32
      %dma_start3A_14 = tpu.memref_slice %arg3[%add3A, %dma_start3A_12, %dma_start3A_13] : memref<32x81x128xi32, #tpu.memory_space<hbm>> -> memref<1x81x128xi32, #tpu.memory_space<hbm>>
      %dma_start3A_15 = tpu.memref_squeeze %dma_start3A_14 : memref<1x81x128xi32, #tpu.memory_space<hbm>> -> memref<81x128xi32, #tpu.memory_space<hbm>>
      tpu.enqueue_dma source(%dma_start3A_15 : memref<81x128xi32, #tpu.memory_space<hbm>>) target(%arg7 : memref<81x128xi32, #tpu.memory_space<vmem>>) target_semaphore(%run_scoped3A : memref<!tpu.dma_semaphore, #tpu.memory_space<semaphore_mem>>)
      %dma_wait3A = arith.constant 0 : i32
      %dma_wait3A_16 = arith.constant 0 : i32
      %dma_wait3A_17 = tpu.memref_slice %arg3[%add3A, %dma_wait3A, %dma_wait3A_16] : memref<32x81x128xi32, #tpu.memory_space<hbm>> -> memref<1x81x128xi32, #tpu.memory_space<hbm>>
      %dma_wait3A_18 = tpu.memref_squeeze %dma_wait3A_17 : memref<1x81x128xi32, #tpu.memory_space<hbm>> -> memref<81x128xi32, #tpu.memory_space<hbm>>
      %dma_wait3A_19 = arith.constant 0 : i32
      %dma_wait3A_20 = arith.constant 0 : i32
      %dma_wait3A_21 = tpu.memref_slice %arg3[%add3A, %dma_wait3A_19, %dma_wait3A_20] : memref<32x81x128xi32, #tpu.memory_space<hbm>> -> memref<1x81x128xi32, #tpu.memory_space<hbm>>
      %dma_wait3A_22 = tpu.memref_squeeze %dma_wait3A_21 : memref<1x81x128xi32, #tpu.memory_space<hbm>> -> memref<81x128xi32, #tpu.memory_space<hbm>>
      tpu.wait_dma2 semaphore(%run_scoped3A : memref<!tpu.dma_semaphore, #tpu.memory_space<semaphore_mem>>) src(%dma_wait3A_22 : memref<81x128xi32, #tpu.memory_space<hbm>>) dst(%arg7 : memref<81x128xi32, #tpu.memory_space<vmem>>)
      tpu.yield
    }) : () -> ()
    "tpu.region"() ({
      %run_scoped3A = tpu.sem_alloc : memref<!tpu.dma_semaphore, #tpu.memory_space<semaphore_mem>>
      %dma_start3A = arith.constant 0 : i32
      %dma_start3A_9 = arith.constant 0 : i32
      %dma_start3A_10 = tpu.memref_slice %arg4[%add3A, %dma_start3A, %dma_start3A_9] : memref<32x81x128xi32, #tpu.memory_space<hbm>> -> memref<1x81x128xi32, #tpu.memory_space<hbm>>
      %dma_start3A_11 = tpu.memref_squeeze %dma_start3A_10 : memref<1x81x128xi32, #tpu.memory_space<hbm>> -> memref<81x128xi32, #tpu.memory_space<hbm>>
      %dma_start3A_12 = arith.constant 0 : i32
      %dma_start3A_13 = arith.constant 0 : i32
      %dma_start3A_14 = tpu.memref_slice %arg4[%add3A, %dma_start3A_12, %dma_start3A_13] : memref<32x81x128xi32, #tpu.memory_space<hbm>> -> memref<1x81x128xi32, #tpu.memory_space<hbm>>
      %dma_start3A_15 = tpu.memref_squeeze %dma_start3A_14 : memref<1x81x128xi32, #tpu.memory_space<hbm>> -> memref<81x128xi32, #tpu.memory_space<hbm>>
      tpu.enqueue_dma source(%dma_start3A_15 : memref<81x128xi32, #tpu.memory_space<hbm>>) target(%arg8 : memref<81x128xi32, #tpu.memory_space<vmem>>) target_semaphore(%run_scoped3A : memref<!tpu.dma_semaphore, #tpu.memory_space<semaphore_mem>>)
      %dma_wait3A = arith.constant 0 : i32
      %dma_wait3A_16 = arith.constant 0 : i32
      %dma_wait3A_17 = tpu.memref_slice %arg4[%add3A, %dma_wait3A, %dma_wait3A_16] : memref<32x81x128xi32, #tpu.memory_space<hbm>> -> memref<1x81x128xi32, #tpu.memory_space<hbm>>
      %dma_wait3A_18 = tpu.memref_squeeze %dma_wait3A_17 : memref<1x81x128xi32, #tpu.memory_space<hbm>> -> memref<81x128xi32, #tpu.memory_space<hbm>>
      %dma_wait3A_19 = arith.constant 0 : i32
      %dma_wait3A_20 = arith.constant 0 : i32
      %dma_wait3A_21 = tpu.memref_slice %arg4[%add3A, %dma_wait3A_19, %dma_wait3A_20] : memref<32x81x128xi32, #tpu.memory_space<hbm>> -> memref<1x81x128xi32, #tpu.memory_space<hbm>>
      %dma_wait3A_22 = tpu.memref_squeeze %dma_wait3A_21 : memref<1x81x128xi32, #tpu.memory_space<hbm>> -> memref<81x128xi32, #tpu.memory_space<hbm>>
      tpu.wait_dma2 semaphore(%run_scoped3A : memref<!tpu.dma_semaphore, #tpu.memory_space<semaphore_mem>>) src(%dma_wait3A_22 : memref<81x128xi32, #tpu.memory_space<hbm>>) dst(%arg8 : memref<81x128xi32, #tpu.memory_space<vmem>>)
      tpu.yield
    }) : () -> ()
    %barrier3A = arith.constant 0 : index
    tpu.barrier barrier_id(%barrier3A)
    %scan3A = arith.constant 0 : i32
    %scan3A_3 = arith.constant 0 : i32
    %scan3A_4 = arith.constant 81 : i32
    %scan3A_5 = arith.addi %scan3A_3, %scan3A_4 : i32
    %scan3A_6 = arith.constant 1 : i32
    scf.for %scan3A_9 = %scan3A_3 to %scan3A_5 step %scan3A_6  : i32 {
      %dma_start3A = arith.constant 0 : i32
      %dma_start3A_10 = tpu.memref_slice %arg7[%scan3A_9, %dma_start3A] : memref<81x128xi32, #tpu.memory_space<vmem>> -> memref<1x128xi32, #tpu.memory_space<vmem>>
      %dma_start3A_11 = tpu.memref_squeeze %dma_start3A_10 : memref<1x128xi32, #tpu.memory_space<vmem>> -> memref<128xi32, #tpu.memory_space<vmem>>
      %dma_start3A_12 = arith.constant 0 : i32
      %dma_start3A_13 = arith.constant 0 : i32
      %dma_start3A_14 = tpu.memref_slice %arg2[%dma_start3A_12, %dma_start3A_13] : memref<10112x64xf32, #tpu.memory_space<hbm>> -> memref<10112x64xf32, #tpu.memory_space<hbm>>
      tpu.enqueue_indirect_dma source(%dma_start3A_14 : memref<10112x64xf32, #tpu.memory_space<hbm>>) target(%arg9 : memref<128x64xf32, #tpu.memory_space<vmem>>) offsets(%dma_start3A_11 : memref<128xi32, #tpu.memory_space<vmem>>) semaphore(%arg12 : memref<!tpu.dma_semaphore, #tpu.memory_space<semaphore_mem>>)
      %dma_wait3A = arith.constant 0 : i32
      %dma_wait3A_15 = tpu.memref_slice %arg7[%scan3A_9, %dma_wait3A] : memref<81x128xi32, #tpu.memory_space<vmem>> -> memref<1x128xi32, #tpu.memory_space<vmem>>
      %dma_wait3A_16 = tpu.memref_squeeze %dma_wait3A_15 : memref<1x128xi32, #tpu.memory_space<vmem>> -> memref<128xi32, #tpu.memory_space<vmem>>
      %dma_wait3A_17 = arith.constant 0 : i32
      %dma_wait3A_18 = arith.constant 0 : i32
      %dma_wait3A_19 = tpu.memref_slice %arg2[%dma_wait3A_17, %dma_wait3A_18] : memref<10112x64xf32, #tpu.memory_space<hbm>> -> memref<10112x64xf32, #tpu.memory_space<hbm>>
      tpu.wait_indirect_dma semaphore(%arg12 : memref<!tpu.dma_semaphore, #tpu.memory_space<semaphore_mem>>) src(%dma_wait3A_19 : memref<10112x64xf32, #tpu.memory_space<hbm>>) dst(%arg9 : memref<128x64xf32, #tpu.memory_space<vmem>>)
      "tpu.region"() ({
        %run_scoped3A = tpu.sem_alloc : memref<!tpu.dma_semaphore, #tpu.memory_space<semaphore_mem>>
        %dma_start3A_20 = arith.constant 0 : i32
        %dma_start3A_21 = tpu.memref_slice %arg8[%scan3A_9, %dma_start3A_20] : memref<81x128xi32, #tpu.memory_space<vmem>> -> memref<1x128xi32, #tpu.memory_space<vmem>>
        %dma_start3A_22 = tpu.memref_squeeze %dma_start3A_21 : memref<1x128xi32, #tpu.memory_space<vmem>> -> memref<128xi32, #tpu.memory_space<vmem>>
        %dma_start3A_23 = arith.constant 0 : i32
        %dma_start3A_24 = arith.constant 0 : i32
        %dma_start3A_25 = tpu.memref_slice %arg11[%dma_start3A_23, %dma_start3A_24] : memref<10112x64xf32, #tpu.memory_space<vmem_shared>> -> memref<10112x64xf32, #tpu.memory_space<vmem_shared>>
        tpu.enqueue_indirect_dma source(%arg9 : memref<128x64xf32, #tpu.memory_space<vmem>>) target(%dma_start3A_25 : memref<10112x64xf32, #tpu.memory_space<vmem_shared>>) offsets(%dma_start3A_22 : memref<128xi32, #tpu.memory_space<vmem>>) semaphore(%run_scoped3A : memref<!tpu.dma_semaphore, #tpu.memory_space<semaphore_mem>>) {add = true}
        %dma_wait3A_26 = arith.constant 0 : i32
        %dma_wait3A_27 = tpu.memref_slice %arg8[%scan3A_9, %dma_wait3A_26] : memref<81x128xi32, #tpu.memory_space<vmem>> -> memref<1x128xi32, #tpu.memory_space<vmem>>
        %dma_wait3A_28 = tpu.memref_squeeze %dma_wait3A_27 : memref<1x128xi32, #tpu.memory_space<vmem>> -> memref<128xi32, #tpu.memory_space<vmem>>
        %dma_wait3A_29 = arith.constant 0 : i32
        %dma_wait3A_30 = arith.constant 0 : i32
        %dma_wait3A_31 = tpu.memref_slice %arg11[%dma_wait3A_29, %dma_wait3A_30] : memref<10112x64xf32, #tpu.memory_space<vmem_shared>> -> memref<10112x64xf32, #tpu.memory_space<vmem_shared>>
        tpu.wait_indirect_dma semaphore(%run_scoped3A : memref<!tpu.dma_semaphore, #tpu.memory_space<semaphore_mem>>) src(%arg9 : memref<128x64xf32, #tpu.memory_space<vmem>>) dst(%dma_wait3A_31 : memref<10112x64xf32, #tpu.memory_space<vmem_shared>>)
        tpu.yield
      }) : () -> ()
    }
    %scan3A_7 = arith.constant 81 : i32
    %barrier3A_8 = arith.constant 0 : index
    tpu.barrier barrier_id(%barrier3A_8)
    "tpu.region"() ({
      %run_scoped3A = tpu.sem_alloc : memref<!tpu.dma_semaphore, #tpu.memory_space<semaphore_mem>>
      %dma_start3A = arith.constant 0 : i32
      %dma_start3A_9 = tpu.memref_slice %arg6[%arg0, %mul3A_2, %dma_start3A] : memref<2x10112x64xf32, #tpu.memory_space<hbm>> -> memref<1x632x64xf32, #tpu.memory_space<hbm>>
      %dma_start3A_10 = tpu.memref_squeeze %dma_start3A_9 : memref<1x632x64xf32, #tpu.memory_space<hbm>> -> memref<632x64xf32, #tpu.memory_space<hbm>>
      %dma_start3A_11 = arith.constant 0 : i32
      %dma_start3A_12 = tpu.memref_slice %arg11[%mul3A_2, %dma_start3A_11] : memref<10112x64xf32, #tpu.memory_space<vmem_shared>> -> memref<632x64xf32, #tpu.memory_space<vmem_shared>>
      tpu.enqueue_dma source(%dma_start3A_12 : memref<632x64xf32, #tpu.memory_space<vmem_shared>>) target(%dma_start3A_10 : memref<632x64xf32, #tpu.memory_space<hbm>>) target_semaphore(%run_scoped3A : memref<!tpu.dma_semaphore, #tpu.memory_space<semaphore_mem>>)
      %dma_wait3A = arith.constant 0 : i32
      %dma_wait3A_13 = tpu.memref_slice %arg6[%arg0, %mul3A_2, %dma_wait3A] : memref<2x10112x64xf32, #tpu.memory_space<hbm>> -> memref<1x632x64xf32, #tpu.memory_space<hbm>>
      %dma_wait3A_14 = tpu.memref_squeeze %dma_wait3A_13 : memref<1x632x64xf32, #tpu.memory_space<hbm>> -> memref<632x64xf32, #tpu.memory_space<hbm>>
      %dma_wait3A_15 = arith.constant 0 : i32
      %dma_wait3A_16 = tpu.memref_slice %arg11[%mul3A_2, %dma_wait3A_15] : memref<10112x64xf32, #tpu.memory_space<vmem_shared>> -> memref<632x64xf32, #tpu.memory_space<vmem_shared>>
      tpu.wait_dma2 semaphore(%run_scoped3A : memref<!tpu.dma_semaphore, #tpu.memory_space<semaphore_mem>>) src(%dma_wait3A_16 : memref<632x64xf32, #tpu.memory_space<vmem_shared>>) dst(%dma_wait3A_14 : memref<632x64xf32, #tpu.memory_space<hbm>>)
      tpu.yield
    }) : () -> ()
    return
  }
}

module attributes {stable_mosaic.version = 14 : i64} {
  func.func @_tc_prep1_body(%arg0: memref<10112x128xf32, #tpu.memory_space<vmem>>, %arg1: memref<128x64xf32, #tpu.memory_space<vmem>>, %arg2: memref<2x10112x16xf32, #tpu.memory_space<vmem>>, %arg3: memref<10112x64xf32, #tpu.memory_space<vmem>>, %arg4: memref<10112x1xf32, #tpu.memory_space<vmem>>) attributes {dimension_semantics = [], scalar_prefetch = 0 : i64, scratch_operands = 0 : i64, tpu.core_type = #tpu.core_type<tc>} {
    %get3A = arith.constant 0 : index
    %get3A_0 = arith.constant 0 : index
    %get3A_1 = arith.constant 0 : index
    %get3A_2 = vector.load %arg2[%get3A, %get3A_0, %get3A_1] : memref<2x10112x16xf32, #tpu.memory_space<vmem>>, vector<1x10112x1xf32>
    %get3A_3 = vector.shape_cast %get3A_2 : vector<1x10112x1xf32> to vector<10112x1xf32>
    %get3A_4 = arith.constant 1 : index
    %get3A_5 = arith.constant 0 : index
    %get3A_6 = arith.constant 0 : index
    %get3A_7 = vector.load %arg2[%get3A_4, %get3A_5, %get3A_6] : memref<2x10112x16xf32, #tpu.memory_space<vmem>>, vector<1x10112x1xf32>
    %get3A_8 = vector.shape_cast %get3A_7 : vector<1x10112x1xf32> to vector<10112x1xf32>
    %add3A = arith.addf %get3A_3, %get3A_8 : vector<10112x1xf32>
    %gt3A = arith.constant 0.000000e+00 : f32
    %gt3A_9 = vector.broadcast %gt3A : f32 to vector<10112x1xf32>
    %gt3A_10 = arith.cmpf ogt, %add3A, %gt3A_9 : vector<10112x1xf32>
    %rsqrt3A = math.rsqrt %add3A : vector<10112x1xf32>
    %jit3A = arith.constant 0.000000e+00 : f32
    %broadcast_in_dim3A = vector.broadcast %jit3A : f32 to vector<10112x1xf32>
    %select_n3A = arith.select %gt3A_10, %rsqrt3A, %broadcast_in_dim3A : vector<10112x1xi1>, vector<10112x1xf32>
    %get3A_11 = arith.constant 0 : index
    %get3A_12 = arith.constant 0 : index
    %get3A_13 = vector.load %arg0[%get3A_11, %get3A_12] : memref<10112x128xf32, #tpu.memory_space<vmem>>, vector<10112x128xf32>
    %convert_element_type3A = arith.truncf %get3A_13 : vector<10112x128xf32> to vector<10112x128xbf16>
    %get3A_14 = arith.constant 0 : index
    %get3A_15 = arith.constant 0 : index
    %get3A_16 = vector.load %arg1[%get3A_14, %get3A_15] : memref<128x64xf32, #tpu.memory_space<vmem>>, vector<128x64xf32>
    %convert_element_type3A_17 = arith.truncf %get3A_16 : vector<128x64xf32> to vector<128x64xbf16>
    %dot_general3A = arith.constant dense<0.000000e+00> : vector<10112x64xf32>
    %dot_general3A_18 = tpu.matmul %convert_element_type3A, %convert_element_type3A_17, %dot_general3A {dimension_numbers = #tpu.dot_dimension_numbers<[1], [0], [0], [1], [0, 0, 1, 1], [], []>, transpose_lhs_hint = false} : vector<10112x128xbf16>, vector<128x64xbf16>, vector<10112x64xf32> -> vector<10112x64xf32>
    %mul3A = vector.broadcast %select_n3A : vector<10112x1xf32> to vector<10112x64xf32>
    %mul3A_19 = arith.mulf %dot_general3A_18, %mul3A : vector<10112x64xf32>
    %swap3A = arith.constant 0 : index
    %swap3A_20 = arith.constant 0 : index
    %swap3A_21 = vector.load %arg3[%swap3A, %swap3A_20] : memref<10112x64xf32, #tpu.memory_space<vmem>>, vector<10112x64xf32>
    tpu.vector_store %arg3[%swap3A, %swap3A_20], %mul3A_19 {strides = array<i32>} : memref<10112x64xf32, #tpu.memory_space<vmem>>, vector<10112x64xf32>,
    %swap3A_22 = arith.constant 0 : index
    %swap3A_23 = arith.constant 0 : index
    %swap3A_24 = vector.load %arg4[%swap3A_22, %swap3A_23] : memref<10112x1xf32, #tpu.memory_space<vmem>>, vector<10112x1xf32>
    tpu.vector_store %arg4[%swap3A_22, %swap3A_23], %select_n3A {strides = array<i32>} : memref<10112x1xf32, #tpu.memory_space<vmem>>, vector<10112x1xf32>,
    return
  }
}

module attributes {stable_mosaic.version = 14 : i64} {
  func.func @_tc_prep2_body(%arg0: memref<2x10112x64xf32, #tpu.memory_space<vmem>>, %arg1: memref<10112x1xf32, #tpu.memory_space<vmem>>, %arg2: memref<1x64xf32, #tpu.memory_space<vmem>>, %arg3: memref<64x64xf32, #tpu.memory_space<vmem>>, %arg4: memref<10112x64xf32, #tpu.memory_space<vmem>>) attributes {dimension_semantics = [], scalar_prefetch = 0 : i64, scratch_operands = 0 : i64, tpu.core_type = #tpu.core_type<tc>} {
    %get3A = arith.constant 0 : index
    %get3A_0 = arith.constant 0 : index
    %get3A_1 = vector.load %arg1[%get3A, %get3A_0] : memref<10112x1xf32, #tpu.memory_space<vmem>>, vector<10112x1xf32>
    %get3A_2 = arith.constant 0 : index
    %get3A_3 = arith.constant 0 : index
    %get3A_4 = arith.constant 0 : index
    %get3A_5 = vector.load %arg0[%get3A_2, %get3A_3, %get3A_4] : memref<2x10112x64xf32, #tpu.memory_space<vmem>>, vector<1x10112x64xf32>
    %get3A_6 = vector.shape_cast %get3A_5 : vector<1x10112x64xf32> to vector<10112x64xf32>
    %get3A_7 = arith.constant 1 : index
    %get3A_8 = arith.constant 0 : index
    %get3A_9 = arith.constant 0 : index
    %get3A_10 = vector.load %arg0[%get3A_7, %get3A_8, %get3A_9] : memref<2x10112x64xf32, #tpu.memory_space<vmem>>, vector<1x10112x64xf32>
    %get3A_11 = vector.shape_cast %get3A_10 : vector<1x10112x64xf32> to vector<10112x64xf32>
    %add3A = arith.addf %get3A_6, %get3A_11 : vector<10112x64xf32>
    %mul3A = vector.broadcast %get3A_1 : vector<10112x1xf32> to vector<10112x64xf32>
    %mul3A_12 = arith.mulf %add3A, %mul3A : vector<10112x64xf32>
    %get3A_13 = arith.constant 0 : index
    %get3A_14 = arith.constant 0 : index
    %get3A_15 = vector.load %arg2[%get3A_13, %get3A_14] : memref<1x64xf32, #tpu.memory_space<vmem>>, vector<1x64xf32>
    %add3A_16 = vector.broadcast %get3A_15 : vector<1x64xf32> to vector<10112x64xf32>
    %add3A_17 = arith.addf %mul3A_12, %add3A_16 : vector<10112x64xf32>
    %max3A = arith.constant 0.000000e+00 : f32
    %max3A_18 = vector.broadcast %max3A : f32 to vector<10112x64xf32>
    %max3A_19 = arith.maximumf %add3A_17, %max3A_18 : vector<10112x64xf32>
    %convert_element_type3A = arith.truncf %max3A_19 : vector<10112x64xf32> to vector<10112x64xbf16>
    %get3A_20 = arith.constant 0 : index
    %get3A_21 = arith.constant 0 : index
    %get3A_22 = vector.load %arg3[%get3A_20, %get3A_21] : memref<64x64xf32, #tpu.memory_space<vmem>>, vector<64x64xf32>
    %convert_element_type3A_23 = arith.truncf %get3A_22 : vector<64x64xf32> to vector<64x64xbf16>
    %dot_general3A = arith.constant dense<0.000000e+00> : vector<10112x64xf32>
    %dot_general3A_24 = tpu.matmul %convert_element_type3A, %convert_element_type3A_23, %dot_general3A {dimension_numbers = #tpu.dot_dimension_numbers<[1], [0], [0], [1], [0, 0, 1, 1], [], []>, transpose_lhs_hint = false} : vector<10112x64xbf16>, vector<64x64xbf16>, vector<10112x64xf32> -> vector<10112x64xf32>
    %mul3A_25 = vector.broadcast %get3A_1 : vector<10112x1xf32> to vector<10112x64xf32>
    %mul3A_26 = arith.mulf %dot_general3A_24, %mul3A_25 : vector<10112x64xf32>
    %swap3A = arith.constant 0 : index
    %swap3A_27 = arith.constant 0 : index
    %swap3A_28 = vector.load %arg4[%swap3A, %swap3A_27] : memref<10112x64xf32, #tpu.memory_space<vmem>>, vector<10112x64xf32>
    tpu.vector_store %arg4[%swap3A, %swap3A_27], %mul3A_26 {strides = array<i32>} : memref<10112x64xf32, #tpu.memory_space<vmem>>, vector<10112x64xf32>,
    return
  }
}

module attributes {stable_mosaic.version = 14 : i64} {
  func.func @_tc_head_body(%arg0: memref<2x10112x64xf32, #tpu.memory_space<vmem>>, %arg1: memref<10112x1xf32, #tpu.memory_space<vmem>>, %arg2: memref<1x64xf32, #tpu.memory_space<vmem>>, %arg3: memref<1x10112xi32, #tpu.memory_space<vmem>>, %arg4: memref<64x1xf32, #tpu.memory_space<vmem>>, %arg5: memref<1x1xf32, #tpu.memory_space<vmem>>, %arg6: memref<64x1xf32, #tpu.memory_space<vmem>>) attributes {dimension_semantics = [], scalar_prefetch = 0 : i64, scratch_operands = 0 : i64, tpu.core_type = #tpu.core_type<tc>} {
    %get3A = arith.constant 0 : index
    %get3A_0 = arith.constant 0 : index
    %get3A_1 = arith.constant 0 : index
    %get3A_2 = vector.load %arg0[%get3A, %get3A_0, %get3A_1] : memref<2x10112x64xf32, #tpu.memory_space<vmem>>, vector<1x10112x64xf32>
    %get3A_3 = vector.shape_cast %get3A_2 : vector<1x10112x64xf32> to vector<10112x64xf32>
    %get3A_4 = arith.constant 1 : index
    %get3A_5 = arith.constant 0 : index
    %get3A_6 = arith.constant 0 : index
    %get3A_7 = vector.load %arg0[%get3A_4, %get3A_5, %get3A_6] : memref<2x10112x64xf32, #tpu.memory_space<vmem>>, vector<1x10112x64xf32>
    %get3A_8 = vector.shape_cast %get3A_7 : vector<1x10112x64xf32> to vector<10112x64xf32>
    %add3A = arith.addf %get3A_3, %get3A_8 : vector<10112x64xf32>
    %get3A_9 = arith.constant 0 : index
    %get3A_10 = arith.constant 0 : index
    %get3A_11 = vector.load %arg1[%get3A_9, %get3A_10] : memref<10112x1xf32, #tpu.memory_space<vmem>>, vector<10112x1xf32>
    %mul3A = vector.broadcast %get3A_11 : vector<10112x1xf32> to vector<10112x64xf32>
    %mul3A_12 = arith.mulf %add3A, %mul3A : vector<10112x64xf32>
    %get3A_13 = arith.constant 0 : index
    %get3A_14 = arith.constant 0 : index
    %get3A_15 = vector.load %arg2[%get3A_13, %get3A_14] : memref<1x64xf32, #tpu.memory_space<vmem>>, vector<1x64xf32>
    %add3A_16 = vector.broadcast %get3A_15 : vector<1x64xf32> to vector<10112x64xf32>
    %add3A_17 = arith.addf %mul3A_12, %add3A_16 : vector<10112x64xf32>
    %max3A = arith.constant 0.000000e+00 : f32
    %max3A_18 = vector.broadcast %max3A : f32 to vector<10112x64xf32>
    %max3A_19 = arith.maximumf %add3A_17, %max3A_18 : vector<10112x64xf32>
    %get3A_20 = arith.constant 0 : index
    %get3A_21 = arith.constant 0 : index
    %get3A_22 = vector.load %arg3[%get3A_20, %get3A_21] : memref<1x10112xi32, #tpu.memory_space<vmem>>, vector<1x10112xi32>
    %iota3A = tpu.iota {dimensions = array<i32: 0>} : vector<64x1xi32>
    %eq3A = vector.broadcast %get3A_22 : vector<1x10112xi32> to vector<64x10112xi32>
    %eq3A_23 = vector.broadcast %iota3A : vector<64x1xi32> to vector<64x10112xi32>
    %eq3A_24 = arith.cmpi eq, %eq3A, %eq3A_23 : vector<64x10112xi32>
    %convert_element_type3A = arith.extui %eq3A_24 : vector<64x10112xi1> to vector<64x10112xi32>
    %convert_element_type3A_25 = arith.sitofp %convert_element_type3A : vector<64x10112xi32> to vector<64x10112xf32>
    %dot_general3A = arith.constant dense<0.000000e+00> : vector<64x64xf32>
    %dot_general3A_26 = tpu.matmul %convert_element_type3A_25, %max3A_19, %dot_general3A {dimension_numbers = #tpu.dot_dimension_numbers<[1], [0], [0], [1], [0, 0, 1, 1], [], []>, precision = #tpu.contract_precision<fp32>, transpose_lhs_hint = false} : vector<64x10112xf32>, vector<10112x64xf32>, vector<64x64xf32> -> vector<64x64xf32>
    %reduce_sum3A = arith.constant dense<0.000000e+00> : vector<64xf32>
    %reduce_sum3A_27 = vector.multi_reduction <add>, %convert_element_type3A_25, %reduce_sum3A [1] : vector<64x10112xf32> to vector<64xf32>
    %broadcast_in_dim3A = vector.shape_cast %reduce_sum3A_27 : vector<64xf32> to vector<64x1xf32>
    %max3A_28 = arith.constant 1.000000e+00 : f32
    %max3A_29 = vector.broadcast %max3A_28 : f32 to vector<64x1xf32>
    %max3A_30 = arith.maximumf %broadcast_in_dim3A, %max3A_29 : vector<64x1xf32>
    %div3A = vector.broadcast %max3A_30 : vector<64x1xf32> to vector<64x64xf32>
    %div3A_31 = arith.divf %dot_general3A_26, %div3A : vector<64x64xf32>
    %convert_element_type3A_32 = arith.truncf %div3A_31 : vector<64x64xf32> to vector<64x64xbf16>
    %get3A_33 = arith.constant 0 : index
    %get3A_34 = arith.constant 0 : index
    %get3A_35 = vector.load %arg4[%get3A_33, %get3A_34] : memref<64x1xf32, #tpu.memory_space<vmem>>, vector<64x1xf32>
    %convert_element_type3A_36 = arith.truncf %get3A_35 : vector<64x1xf32> to vector<64x1xbf16>
    %dot_general3A_37 = arith.constant dense<0.000000e+00> : vector<64x1xf32>
    %dot_general3A_38 = tpu.matmul %convert_element_type3A_32, %convert_element_type3A_36, %dot_general3A_37 {dimension_numbers = #tpu.dot_dimension_numbers<[1], [0], [0], [1], [0, 0, 1, 1], [], []>, transpose_lhs_hint = false} : vector<64x64xbf16>, vector<64x1xbf16>, vector<64x1xf32> -> vector<64x1xf32>
    %get3A_39 = arith.constant 0 : index
    %get3A_40 = arith.constant 0 : index
    %get3A_41 = vector.load %arg5[%get3A_39, %get3A_40] : memref<1x1xf32, #tpu.memory_space<vmem>>, vector<1x1xf32>
    %add3A_42 = vector.broadcast %get3A_41 : vector<1x1xf32> to vector<64x1xf32>
    %add3A_43 = arith.addf %dot_general3A_38, %add3A_42 : vector<64x1xf32>
    %swap3A = arith.constant 0 : index
    %swap3A_44 = arith.constant 0 : index
    %swap3A_45 = vector.load %arg6[%swap3A, %swap3A_44] : memref<64x1xf32, #tpu.memory_space<vmem>>, vector<64x1xf32>
    tpu.vector_store %arg6[%swap3A, %swap3A_44], %add3A_43 {strides = array<i32>} : memref<64x1xf32, #tpu.memory_space<vmem>>, vector<64x1xf32>,
    return
  }
}

</mosaic_0001>

<sc_bundles>
// kernel: kernel.11.cloned.1.call-start
scs
__scs_entry_jumppad:
0x0: {  	(pc) =	sbr.rel $0x88, $3  }
0x1: {  	(tag) =	ssettag $0x0;
	lr =	simm.s32 $0x1  }
0x2: {  	[smem:$0x3F98] =	sst lr;
	_ =	strace $0xD0000000  }
0x3: {  	_ = 	snop  }
0x4: {  	_ = 	snop  }
0x5: {  	_ = 	snop  }
0x6: {  	_ = 	snop  }
0x7: {  	_ = 	snop  }
__scs_overlays_trampoline_lowered:
0x8: {  	[smem:$0x3FA7] =	sst s0  }
0x9: {  	[smem:$0x3FA8] =	sst s1  }
0xa: {  	[smem:$0x3FA9] =	sst s2  }
0xb: {  	[smem:$0x3FAA] =	sst s3  }
0xc: {  	[smem:$0x3FAB] =	sst s4  }
0xd: {  	[smem:$0x3FAC] =	sst s5  }
0xe: {  	[smem:$0x3FAD] =	sst s6  }
0xf: {  	[smem:$0x3FAE] =	sst s7  }
0x10: {  	[smem:$0x3FAF] =	sst s8  }
0x11: {  	[smem:$0x3FB0] =	sst s9;
	s0 =	simm.s32 @!p0 $0x0  }
0x12: {  	s1 =	sld [smem:$0x3F96];
	s0 =	simm.s32 @p0 $0x1  }
0x13: {  	[smem:$0x3FB1] =	sst s0;
	s0 =	simm.s32 @!p1 $0x0  }
0x14: {  	s2 =	sld [smem:$0x3F95];
	s0 =	simm.s32 @p1 $0x1  }
0x15: {  	[smem:$0x3FB2] =	sst s0;
	s0 =	simm.s32 @!p2 $0x0  }
0x16: {  	s3 =	sld [smem:$0x3FDB];
	s0 =	simm.s32 @p2 $0x1  }
0x17: {  	s4 =	simm.s32 $0x1BF5;
	[smem:$0x3FB4] =	sst s0  }
0x18: {  	s0 =	sld [smem:$0x3F97];
	_ =	swait.ge [sflag:s4], $0x0  }
0x19: {  	s7 =	sld [smem:$0x3F98]  }
0x1a: {  	s8 =	sadd.s32 $0xFFFFE003, lr  }
0x1b: {  	s9 =	sadd.s32 $0xFFFFFEF7, lr;
	s5 =	simm.s32 $0xFFFFFFFF;
	p2 =	slt.u32 s8, $0xFFFFF086  }
0x1c: {  	p1 =	slt.u32 s9, $0xF7A;
	s5 =	simm.s32 @!p2 $0x0  }
0x1d: {  	s5 =	simm.s32 @p1 $0x1;
	p0 =	seq.s32 s7, s2  }
0x1e: {  	s7 =	smul.u32 @!p0 $0xF7A, s2;
	p2 =	seq.s32 @!p0 s5, $0x0  }
0x1f: {  	s9 =	smul.u32 $0xF7A, s1;
	s8 =	simm.s32 @!p0 $0x1BF5;
	p2 =	por !p2, p0  }
0x20: {  	[sflag:s8] =	ssyncset.s32 @!p0 $0xFFFFF086;
	s6 =	sadd.s32 @!p0 s3, s7;
	s7 =	simm.s32 @!p0 $0x108  }
0x21: {  	s3 =	sadd.s32 s3, s9;
	s6 =	sadd.s32 @!p0 $0x88, s6;
	s7 =	simm.s32 @p2 $0x1082  }
0x22: {  	[simem:s7], [sflag:s8] =	dma.local @!p0 [hbm:s6], $0xF7A  }
0x23: {  	s9 =	sor.u32 $0xD0000000, s2;
	s6 =	simm.s32 $0x108;
	_ =	swait.ge @!p0 [sflag:s8], $0x0  }
0x24: {  	s3 =	sadd.s32 $0x88, s3;
	s6 =	simm.s32 @!p1 $0x1082;
	[sflag:s4] =	ssyncset.s32 $0xFFFFF086  }
0x25: {  	[simem:s6], [sflag:s4] =	dma.local [hbm:s3], $0xF7A  }
0x26: {  	[smem:$0x3F98] =	sst s1;
	(tag) =	ssettag s2;
	_ =	strace s9  }
0x27: {  	s1 =	sld [smem:$0x3FA8]  }
0x28: {  	s2 =	sld [smem:$0x3FA9]  }
0x29: {  	s4 =	sld [smem:$0x3FAB]  }
0x2a: {  	p0 =	seq.s32 s5, $0x0;
	s5 =	sld [smem:$0x3FAC]  }
0x2b: {  	s6 =	sld [smem:$0x3FAD]  }
0x2c: {  	s7 =	sld [smem:$0x3FAE]  }
0x2d: {  	s3 =	simm.s32 $0x108;
	s8 =	sld [smem:$0x3FAF]  }
0x2e: {  	s3 =	simm.s32 @!p0 $0x1082;
	s9 =	sld [smem:$0x3FB0]  }
0x2f: {  	lr =	sadd.s32 s0, s3;
	s0 =	sld [smem:$0x3FA7]  }
0x30: {  	s3 =	sld [smem:$0x3FAA]  }
0x31: {  	[smem:$0x3FB3] =	sst s10  }
0x32: {  	s10 =	sld [smem:$0x3FB1];
	_ =	sdelay $0x3  }
0x33: {  	p0 =	seq.s32 s10, $0x1;
	s10 =	sld [smem:$0x3FB3];
	_ =	sdelay $0x3  }
0x34: {  	[smem:$0x3FB3] =	sst s10  }
0x35: {  	s10 =	sld [smem:$0x3FB2];
	_ =	sdelay $0x3  }
0x36: {  	p1 =	seq.s32 s10, $0x1;
	s10 =	sld [smem:$0x3FB3];
	_ =	sdelay $0x3  }
0x37: {  	[smem:$0x3FB3] =	sst s10  }
0x38: {  	s10 =	sld [smem:$0x3FB4]  }
0x39: {  	_ = 	snop;
	(pc) =	sbr.ind lr, $3  }
0x3a: {  	_ = 	snop  }
0x3b: {  	_ = 	snop  }
0x3c: {  	p2 =	seq.s32 s10, $0x1;
	s10 =	sld [smem:$0x3FB3]  }
0x3d: {  	_ =	shalt  }
0x3e: {  	_ =	shalt  }
0x3f: {  	_ =	shalt  }
0x40: {  	_ =	shalt  }
0x41: {  	_ =	shalt  }
0x42: {  	_ =	shalt  }
0x43: {  	_ =	shalt  }
0x44: {  	_ =	shalt  }
0x45: {  	_ =	shalt  }
0x46: {  	_ =	shalt  }
0x47: {  	_ =	shalt  }
0x48: {  	_ =	shalt  }
0x49: {  	_ =	shalt  }
0x4a: {  	_ =	shalt  }
0x4b: {  	_ =	shalt  }
0x4c: {  	_ =	shalt  }
0x4d: {  	_ =	shalt  }
0x4e: {  	_ =	shalt  }
0x4f: {  	_ =	shalt  }
0x50: {  	_ =	shalt  }
0x51: {  	_ =	shalt  }
0x52: {  	_ =	shalt  }
0x53: {  	_ =	shalt  }
0x54: {  	_ =	shalt  }
0x55: {  	_ =	shalt  }
0x56: {  	_ =	shalt  }
0x57: {  	_ =	shalt  }
0x58: {  	_ =	shalt  }
0x59: {  	_ =	shalt  }
0x5a: {  	_ =	shalt  }
0x5b: {  	_ =	shalt  }
0x5c: {  	_ =	shalt  }
0x5d: {  	_ =	shalt  }
0x5e: {  	_ =	shalt  }
0x5f: {  	_ =	shalt  }
0x60: {  	_ =	shalt  }
0x61: {  	_ =	shalt  }
0x62: {  	_ =	shalt  }
0x63: {  	_ =	shalt  }
0x64: {  	_ =	shalt  }
0x65: {  	_ =	shalt  }
0x66: {  	_ =	shalt  }
0x67: {  	_ =	shalt  }
0x68: {  	_ =	shalt  }
0x69: {  	_ =	shalt  }
0x6a: {  	_ =	shalt  }
0x6b: {  	_ =	shalt  }
0x6c: {  	_ =	shalt  }
0x6d: {  	_ =	shalt  }
0x6e: {  	_ =	shalt  }
0x6f: {  	_ =	shalt  }
0x70: {  	_ =	shalt  }
0x71: {  	_ =	shalt  }
0x72: {  	_ =	shalt  }
0x73: {  	_ =	shalt  }
0x74: {  	_ =	shalt  }
0x75: {  	_ =	shalt  }
0x76: {  	_ =	shalt  }
0x77: {  	_ =	shalt  }
0x78: {  	_ =	shalt  }
0x79: {  	_ =	shalt  }
0x7a: {  	_ =	shalt  }
0x7b: {  	_ =	shalt  }
0x7c: {  	_ =	shalt  }
0x7d: {  	_ =	shalt  }
0x7e: {  	_ =	shalt  }
0x7f: {  	_ =	shalt  }
0x80: {  	_ =	shalt  }
0x81: {  	_ =	shalt  }
0x82: {  	_ =	shalt  }
0x83: {  	_ =	shalt  }
0x84: {  	_ =	shalt  }
0x85: {  	_ =	shalt  }
0x86: {  	_ =	shalt  }
0x87: {  	_ =	shalt  }
.Lfunc_end0:
.L_simem_size_0:
called_computation.1_lowered:
.L_overlay_start_0:
0x88: {  	s2 =	sld [smem:$0x3FD9]  }
0x89: {  	s3 =	sld [smem:$0x3FFE];
	_ =	sdelay $0x1  }
0x8a: {  	s1 =	srdreg.scid  }
0x8b: {  	s0 =	sand.u32 $0x1, s1  }
0x8c: {  	s16 =	sshll.u32 s0, $0xA;
	s2 =	sadd.s32 s3, s2  }
0x8d: {  	s2 =	sadd.s32 s2, s16  }
0x8e: {  	[smem:$0x3FBF] =	sst s2  }
0x8f: {  	_ = 	snop  }
0x90: {  	(tm) =	ssettm $0x1  }
0x91: {  	s17 =	sld [smem:$0x3FFB];
	_ =	sdelay $0x3  }
0x92: {  	_ =	strace s17  }
0x93: {  	s2 =	sld [smem:$0x3FFC];
	_ =	sdelay $0x3  }
0x94: {  	_ =	strace s2  }
0x95: {  	s2 =	sld [smem:$0x3FFD];
	_ =	sdelay $0x3  }
0x96: {  	_ =	strace s2  }
0x97: {  	_ =	strace $0x8FFFFFFF  }
0x98: {  	s18 =	sld [smem:$0x3FDB];
	_ =	sdelay $0x1  }
0x99: {  	s19 =	simm.s32 $_scs_section_size  }
0x9a: {  	s4 =	simm.s32 $_size__tile_overlayer_lowered;
	s5 =	simm.s32 $_tile_overlayer_lowered  }
0x9b: {  	s22 =	simm.s32 $0x1BFF;
	s21 =	sshll.u32 s5, $0x1;
	s2 =	sadd.s32 s19, s18  }
0x9c: {  	s6 =	simm.s32 $0x0;
	s20 =	sshll.u32 s4, $0x1;
	s4 =	sadd.s32 s21, s2  }
0x9d: {  	[timem:s6], [sflag:s22] =	dma.local [hbm:s4], s20  }
0x9e: {  	_ =	swait.ge [sflag:s22], s20  }
0x9f: {  	s3 =	ssub.s32 $0x0, s20;
	[sflag:s22] =	ssyncset.done $0x0  }
0xa0: {  	[sflag:s22] =	ssyncadd.s32 s3;
	_ =	sdelay $0x1  }
0xa1: {  	s23 =	simm.s32 $0x1B8B  }
0xa2: {  	_ =	swait.ge [sflag:s23], $0x1  }
0xa3: {  	[sflag:s23] =	ssyncset.done $0x0  }
0xa4: {  	s25 =	simm.s32 $0x1B8E;
	s24 =	sld [smem:$0x3FFE];
	[sflag:s23] =	ssyncadd.s32 $0xFFFFFFFF  }
0xa5: {  	s26 =	simm.s32 $execute0_lowered;
	[smem:$0x3FD2] =	sst s25  }
0xa6: {  	s4 =	sshll.u32 s26, $0x1;
	_ =	strace $0x80000049;
	[dreg:$0x1] =	wrdreg $0xFFFFFFFF  }
0xa7: {  	s28 =	simm.s32 $_size_execute0_lowered;
	s2 =	sadd.s32 s2, s4;
	[dreg:$0x0] =	wrdreg $0x0  }
0xa8: {  	s4 =	sshll.u32 s28, $0x1;
	[dreg:$0x2] =	wrdreg s2  }
0xa9: {  	[dreg:$0x3] =	wrdreg s4  }
0xaa: {  	[dreg:$0x4] =	wrdreg $0xC0  }
0xab: {  	_ =	task [dreg:s6], $0x5FFFF  }
0xac: {  	[dreg:$0x1] =	wrdreg $0xFFFFFFFF  }
0xad: {  	[dreg:$0x0] =	wrdreg $0x60  }
0xae: {  	[dreg:$0x2] =	wrdreg s24  }
0xaf: {  	[dreg:$0x3] =	wrdreg $0x10F000  }
0xb0: {  	[dreg:$0x4] =	wrdreg $0x9  }
0xb1: {  	_ =	task.clear_ibuf [dreg:s6], $0x5FFFF;
	_ =	strace $0x90000049  }
0xb2: {  	s29 =	simm.s32 $0x9;
	_ =	strace $0x8000004B  }
0xb3: {  	_ =	swait.ge [sflag:s29], $0x1  }
0xb4: {  	[sflag:s29] =	ssyncadd.s32 $0xFFFFFFFF  }
0xb5: {  	_ =	strace $0x9000004B  }
0xb6: {  	_ =	sfence  }
0xb7: {  	s30 =	sld [smem:$0x0];
	_ =	sdelay $0x2  }
0xb8: {  	s31 =	sshll.u32 s1, $0xD;
	s1 =	sshrl.u32 s1, $0x2  }
0xb9: {  	s3 =	sand.u32 $0x4000, s31;
	s1 =	sadd.s32 s1, s30  }
0xba: {  	s0 =	sor.u32 s3, s0;
	s1 =	sshll.u32 s1, $0x11  }
0xbb: {  	s0 =	sor.u32 s1, s0  }
0xbc: {  	s0 =	sadd.s32 $0x8F2B, s0  }
0xbd: {  	[sflag:s0] =	ssyncadd.remote.s32 $0x1  }
0xbe: {  	_ =	sfence.sel $0xFFFF  }
0xbf: {  	[dreg:$0x0] =	wrdreg $0xFFFFFFFF;
	(pc) =	sbr.abs _section_cstart, $3  }
0xc0: {  	[dreg:$0x1] =	wrdreg $0xFFFFFFFF  }
0xc1: {  	_ =	task.clear_ibuf [dreg:s6], $0x2FFFF;
	_ =	strace $0x9FFFFFFF  }
0xc2: {  	(tm) =	ssettm $0x7FFFFFFF  }
0xc3: {  	_ =	shalt  }
tec
execute0_lowered:
.L_overlay_start_1:
0x0: {  	(tag) =	ssettag $0x1  }
0x1: {  	s6 =	rddreg [dreg:$0x0]  }
0x2: {  	s2 =	rddreg [dreg:$0x1];
	s3 =	srdreg.scid  }
0x3: {  	s0 =	rddreg [dreg:$0x2];
	s1 =	stileid.u32  }
0x4: {  	s13 =	simm.s32 $0x2880;
	s14 =	simm.s32 $0x80;
	s15 =	simm.s32 $0x5100  }
0x5: {  	s16 =	simm.s32 $0x1;
	s19 =	simm.s32 $0x0;
	s5 =	sand.u32 $0x1, s3  }
0x6: {  	s3 =	simm.s32 $0x0;
	s7 =	smul.u32 $0x9E00, s1;
	s17 =	sshll.u32 s1, $0x6  }
0x7: {  	s4 =	sshll.u32 s5, $0x4;
	[smem:$0x7FF] =	sst s3;
	s8 =	smul.u32 $0x9E000, s5  }
0x8: {  	s10 =	ssub.s32 $0x2, s5;
	s5 =	sadd.s32 $0xB000, s6;
	s17 =	sor.u32 $0x1C02, s17  }
0x9: {  	s4 =	sor.u32 s1, s4;
	_ =	strace $0x8000004A;
	s11 =	sshrl.u32 s10, $0x1  }
0xa: {  	s9 =	smul.u32 $0x510, s4;
	s4 =	sadd.s32 $0x1F800, s6;
	s8 =	sadd.s32 s7, s8  }
0xb: {  	s10 =	ssub.s32 s10, s11;
	s11 =	simm.s32 $0x7100;
	s8 =	sshrl.u32 s8, $0x3  }
0xc: {  	s10 =	smax.u32 s10, $0x1;
	s9 =	sadd.s32 s9, s6;
	s12 =	sadd.s32 s8, s6  }
0xd: {  	s6 =	sadd.s32 s7, s2;
	s7 =	sadd.s32 $0x15600, s9;
	s8 =	sadd.s32 $0xE00, s9  }
0xe: {  	s9 =	sadd.s32 $0x33400, s12;
	s12 =	simm.s32 $0x2;
	s18 =	sshrl.u32 s6, $0x3  }
.LBB2_1:
0xf: {  	[tilespmem:s11], [sflag:$0x2] =	stream.linear.gather [hbm4b:s5+s3], $0x9E00, $0x38;
	[tilespmem:$0x1AD00] =	vst v63  }
0x10: {  	_ =	swait.ge [sflag:s12], $0x9E00  }
0x11: {  	[sflag:s12] =	ssyncset.done $0x0  }
0x12: {  	[sflag:s12] =	ssyncadd.s32 $0xFFFF6200  }
0x13: {  	[spmem:s6] =	stream.linear.scatter [tilespmem:s11], [sflag:$0x2], $0x9E00, $0x38;
	[tilespmem:$0x1AD00] =	vst v63  }
0x14: {  	_ =	swait.ge [sflag:s12], $0x9E00  }
0x15: {  	[sflag:s12] =	ssyncset.done $0x0  }
0x16: {  	[sflag:s12] =	ssyncadd.s32 $0xFFFF6200  }
0x17: {  	[tilespmem:s3], [sflag:$0x2] =	stream.linear.gather [hbm4b:s7+s3], $0x2880, $0x38;
	[tilespmem:$0x1AD00] =	vst v63  }
0x18: {  	_ =	swait.ge [sflag:s12], $0x2880  }
0x19: {  	[sflag:s12] =	ssyncset.done $0x0  }
0x1a: {  	[sflag:s12] =	ssyncadd.s32 $0xFFFFD780  }
0x1b: {  	[tilespmem:s13], [sflag:$0x2] =	stream.linear.gather [hbm4b:s8+s3], $0x2880, $0x38;
	[tilespmem:$0x1AD00] =	vst v63  }
0x1c: {  	_ =	swait.ge [sflag:s12], $0x2880  }
0x1d: {  	[sflag:s12] =	ssyncset.done $0x0  }
0x1e: {  	[sflag:s12] =	ssyncadd.s32 $0xFFFFD780  }
0x1f: {  	s20 =	simm.s32 $0x0;
	[bflag:$0x0] =	sbarrier.arrive $0xFFFF  }
0x20: {  	[tilespmem:s15], [sflag:$0x1] =	stream.indirect.gather [hbm4b:s4+s14], $0x40, s20, s14, $0xb8;
	[tilespmem:$0x1AD00] =	vst v63  }
0x21: {  	_ =	swait.ge [sflag:s16], $0x2000  }
0x22: {  	[sflag:s16] =	ssyncset.done $0x0  }
0x23: {  	s31 =	simm.s32 $0x2880;
	[sflag:s16] =	ssyncadd.s32 $0xFFFFE000  }
0x24: {  	[spmem:s2] =	stream.indirect.scatter.add.f32 [tilespmem:s15], [sflag:$0x2], $0x40, s31, s14, $0xb8;
	[tilespmem:$0x1AD00] =	vst v63  }
0x25: {  	_ =	swait.ge [sflag:s12], $0x2000  }
0x26: {  	s21 =	simm.s32 $0x400;
	s20 =	simm.s32 $0x200;
	[sflag:s12] =	ssyncset.done $0x0  }
.LBB2_2:
0x27: {  	s22 =	sshra.s32 s20, $0x2  }
0x28: {  	[sflag:s12] =	ssyncadd.s32 $0xFFFFE000;
	s20 =	smov.u32 s21;
	s23 =	sadd.s32 $0x200, s21  }
0x29: {  	[tilespmem:s15], [sflag:$0x1] =	stream.indirect.gather [hbm4b:s4+s14], $0x40, s22, s14, $0xb8;
	[tilespmem:$0x1AD00] =	vst v63  }
0x2a: {  	p0 =	sne.s32 s21, $0xA000;
	_ =	swait.ge [sflag:s16], $0x2000  }
.Ltmp0:
0x2b: {  	[sflag:s16] =	ssyncset.done $0x0;
	(pc) =	sbr.rel @p0 .LBB2_2-.Ltmp0, $4  }
0x2c: {  	s21 =	sadd.s32 $0x2880, s22;
	[sflag:s16] =	ssyncadd.s32 $0xFFFFE000  }
0x2d: {  	[spmem:s2] =	stream.indirect.scatter.add.f32 [tilespmem:s15], [sflag:$0x2], $0x40, s21, s14, $0xb8;
	[tilespmem:$0x1AD00] =	vst v63  }
0x2e: {  	_ =	swait.ge [sflag:s12], $0x2000  }
0x2f: {  	s21 =	smov.u32 s23;
	[sflag:s12] =	ssyncset.done $0x0  }
0x30: {  	s20 =	sshra.s32 s20, $0x2;
	[sflag:s12] =	ssyncadd.s32 $0xFFFFE000  }
0x31: {  	[tilespmem:s15], [sflag:$0x1] =	stream.indirect.gather [hbm4b:s4+s14], $0x40, s20, s14, $0xb8;
	[tilespmem:$0x1AD00] =	vst v63  }
0x32: {  	_ =	swait.ge [sflag:s16], $0x2000  }
0x33: {  	[sflag:s16] =	ssyncset.done $0x0  }
0x34: {  	s20 =	sadd.s32 $0x2880, s20;
	[sflag:s16] =	ssyncadd.s32 $0xFFFFE000  }
0x35: {  	[spmem:s2] =	stream.indirect.scatter.add.f32 [tilespmem:s15], [sflag:$0x2], $0x40, s20, s14, $0xb8;
	[tilespmem:$0x1AD00] =	vst v63  }
0x36: {  	_ =	swait.ge [sflag:s12], $0x2000  }
0x37: {  	s19 =	sadd.s32 $0x1, s19;
	[sflag:s12] =	ssyncset.done $0x0  }
0x38: {  	p0 =	sne.s32 s19, s10;
	[sflag:s12] =	ssyncadd.s32 $0xFFFFE000  }
.Ltmp1:
0x39: {  	[bflag:$0x0] =	sbarrier.arrive $0xFFFF;
	(pc) =	sbr.rel @p0 .LBB2_1-.Ltmp1, $4  }
0x3a: {  	[hbm:s9], [sflag:s17] =	dma.local [spmem:s18], $0x13C0  }
0x3b: {  	_ =	swait.ge [sflag:s12], $0x13C0  }
0x3c: {  	[sflag:s12] =	ssyncset.done $0x0  }
0x3d: {  	[sflag:s12] =	ssyncadd.s32 $0xFFFFEC40  }
0x3e: {  	_ =	sfence.sel $0x180000  }
0x3f: {  	[bflag:$0x0] =	sbarrier.arrive $0xFFFF  }
0x40: {  	p0 =	sne.s32 s1, $0x0;
	_ =	strace $0x9000004A  }
0x41: {  	s0 =	sadd.s32 @!p0 $0x100000, s0;
	[bflag:$0x2] =	sbarrier.arrive $0xFFFF  }
0x42: {  	[sflag:s0] =	ssyncadd.tile.s32 @!p0 $0x1;
	_ =	shalt  }
.Lfunc_end2:
_tile_overlayer_lowered:
.L_overlay_start_2:
0x43: {  	(tag) =	ssettag $0x2  }
0x44: {  	s0 =	rddreg [dreg:$0x0];
	s2 =	stileid.u32  }
0x45: {  	s1 =	rddreg [dreg:$0x1];
	p0 =	sne.s32 s2, $0x0  }
0x46: {  	s3 =	rddreg [dreg:$0x2];
	[bflag:$0x3] =	sbarrier.arrive $0xFFFF;
	s2 =	simm.s32 @!p0 $0x1C02  }
0x47: {  	[timem:s3], [sflag:s2] =	dma.local @!p0 [hbm:s0], s1  }
0x48: {  	s0 =	simm.s32 @!p0 $0x2  }
0x49: {  	_ =	swait.ge @!p0 [sflag:s0], s1  }
0x4a: {  	s1 =	ssub.s32 @!p0 $0x0, s1;
	[sflag:s0] =	ssyncset.done @!p0 $0x0  }
0x4b: {  	[sflag:s0] =	ssyncadd.s32 @!p0 s1  }
0x4c: {  	[bflag:$0x3] =	sbarrier.arrive $0xFFFF  }
0x4d: {  	_ =	shalt  }

// kernel: kernel.14.cloned.1.call-start
scs
__scs_entry_jumppad:
0x0: {  	(pc) =	sbr.rel $0x88, $3  }
0x1: {  	(tag) =	ssettag $0x0;
	lr =	simm.s32 $0x1  }
0x2: {  	[smem:$0x3F98] =	sst lr;
	_ =	strace $0xD0000000  }
0x3: {  	_ = 	snop  }
0x4: {  	_ = 	snop  }
0x5: {  	_ = 	snop  }
0x6: {  	_ = 	snop  }
0x7: {  	_ = 	snop  }
__scs_overlays_trampoline_lowered:
0x8: {  	[smem:$0x3FA7] =	sst s0  }
0x9: {  	[smem:$0x3FA8] =	sst s1  }
0xa: {  	[smem:$0x3FA9] =	sst s2  }
0xb: {  	[smem:$0x3FAA] =	sst s3  }
0xc: {  	[smem:$0x3FAB] =	sst s4  }
0xd: {  	[smem:$0x3FAC] =	sst s5  }
0xe: {  	[smem:$0x3FAD] =	sst s6  }
0xf: {  	[smem:$0x3FAE] =	sst s7  }
0x10: {  	[smem:$0x3FAF] =	sst s8  }
0x11: {  	[smem:$0x3FB0] =	sst s9;
	s0 =	simm.s32 @!p0 $0x0  }
0x12: {  	s1 =	sld [smem:$0x3F96];
	s0 =	simm.s32 @p0 $0x1  }
0x13: {  	[smem:$0x3FB1] =	sst s0;
	s0 =	simm.s32 @!p1 $0x0  }
0x14: {  	s2 =	sld [smem:$0x3F95];
	s0 =	simm.s32 @p1 $0x1  }
0x15: {  	[smem:$0x3FB2] =	sst s0;
	s0 =	simm.s32 @!p2 $0x0  }
0x16: {  	s3 =	sld [smem:$0x3FDB];
	s0 =	simm.s32 @p2 $0x1  }
0x17: {  	s4 =	simm.s32 $0x1BF5;
	[smem:$0x3FB4] =	sst s0  }
0x18: {  	s0 =	sld [smem:$0x3F97];
	_ =	swait.ge [sflag:s4], $0x0  }
0x19: {  	s7 =	sld [smem:$0x3F98]  }
0x1a: {  	s8 =	sadd.s32 $0xFFFFE003, lr  }
0x1b: {  	s9 =	sadd.s32 $0xFFFFFEF7, lr;
	s5 =	simm.s32 $0xFFFFFFFF;
	p2 =	slt.u32 s8, $0xFFFFF086  }
0x1c: {  	p1 =	slt.u32 s9, $0xF7A;
	s5 =	simm.s32 @!p2 $0x0  }
0x1d: {  	s5 =	simm.s32 @p1 $0x1;
	p0 =	seq.s32 s7, s2  }
0x1e: {  	s7 =	smul.u32 @!p0 $0xF7A, s2;
	p2 =	seq.s32 @!p0 s5, $0x0  }
0x1f: {  	s9 =	smul.u32 $0xF7A, s1;
	s8 =	simm.s32 @!p0 $0x1BF5;
	p2 =	por !p2, p0  }
0x20: {  	[sflag:s8] =	ssyncset.s32 @!p0 $0xFFFFF086;
	s6 =	sadd.s32 @!p0 s3, s7;
	s7 =	simm.s32 @!p0 $0x108  }
0x21: {  	s3 =	sadd.s32 s3, s9;
	s6 =	sadd.s32 @!p0 $0x88, s6;
	s7 =	simm.s32 @p2 $0x1082  }
0x22: {  	[simem:s7], [sflag:s8] =	dma.local @!p0 [hbm:s6], $0xF7A  }
0x23: {  	s9 =	sor.u32 $0xD0000000, s2;
	s6 =	simm.s32 $0x108;
	_ =	swait.ge @!p0 [sflag:s8], $0x0  }
0x24: {  	s3 =	sadd.s32 $0x88, s3;
	s6 =	simm.s32 @!p1 $0x1082;
	[sflag:s4] =	ssyncset.s32 $0xFFFFF086  }
0x25: {  	[simem:s6], [sflag:s4] =	dma.local [hbm:s3], $0xF7A  }
0x26: {  	[smem:$0x3F98] =	sst s1;
	(tag) =	ssettag s2;
	_ =	strace s9  }
0x27: {  	s1 =	sld [smem:$0x3FA8]  }
0x28: {  	s2 =	sld [smem:$0x3FA9]  }
0x29: {  	s4 =	sld [smem:$0x3FAB]  }
0x2a: {  	p0 =	seq.s32 s5, $0x0;
	s5 =	sld [smem:$0x3FAC]  }
0x2b: {  	s6 =	sld [smem:$0x3FAD]  }
0x2c: {  	s7 =	sld [smem:$0x3FAE]  }
0x2d: {  	s3 =	simm.s32 $0x108;
	s8 =	sld [smem:$0x3FAF]  }
0x2e: {  	s3 =	simm.s32 @!p0 $0x1082;
	s9 =	sld [smem:$0x3FB0]  }
0x2f: {  	lr =	sadd.s32 s0, s3;
	s0 =	sld [smem:$0x3FA7]  }
0x30: {  	s3 =	sld [smem:$0x3FAA]  }
0x31: {  	[smem:$0x3FB3] =	sst s10  }
0x32: {  	s10 =	sld [smem:$0x3FB1];
	_ =	sdelay $0x3  }
0x33: {  	p0 =	seq.s32 s10, $0x1;
	s10 =	sld [smem:$0x3FB3];
	_ =	sdelay $0x3  }
0x34: {  	[smem:$0x3FB3] =	sst s10  }
0x35: {  	s10 =	sld [smem:$0x3FB2];
	_ =	sdelay $0x3  }
0x36: {  	p1 =	seq.s32 s10, $0x1;
	s10 =	sld [smem:$0x3FB3];
	_ =	sdelay $0x3  }
0x37: {  	[smem:$0x3FB3] =	sst s10  }
0x38: {  	s10 =	sld [smem:$0x3FB4]  }
0x39: {  	_ = 	snop;
	(pc) =	sbr.ind lr, $3  }
0x3a: {  	_ = 	snop  }
0x3b: {  	_ = 	snop  }
0x3c: {  	p2 =	seq.s32 s10, $0x1;
	s10 =	sld [smem:$0x3FB3]  }
0x3d: {  	_ =	shalt  }
0x3e: {  	_ =	shalt  }
0x3f: {  	_ =	shalt  }
0x40: {  	_ =	shalt  }
0x41: {  	_ =	shalt  }
0x42: {  	_ =	shalt  }
0x43: {  	_ =	shalt  }
0x44: {  	_ =	shalt  }
0x45: {  	_ =	shalt  }
0x46: {  	_ =	shalt  }
0x47: {  	_ =	shalt  }
0x48: {  	_ =	shalt  }
0x49: {  	_ =	shalt  }
0x4a: {  	_ =	shalt  }
0x4b: {  	_ =	shalt  }
0x4c: {  	_ =	shalt  }
0x4d: {  	_ =	shalt  }
0x4e: {  	_ =	shalt  }
0x4f: {  	_ =	shalt  }
0x50: {  	_ =	shalt  }
0x51: {  	_ =	shalt  }
0x52: {  	_ =	shalt  }
0x53: {  	_ =	shalt  }
0x54: {  	_ =	shalt  }
0x55: {  	_ =	shalt  }
0x56: {  	_ =	shalt  }
0x57: {  	_ =	shalt  }
0x58: {  	_ =	shalt  }
0x59: {  	_ =	shalt  }
0x5a: {  	_ =	shalt  }
0x5b: {  	_ =	shalt  }
0x5c: {  	_ =	shalt  }
0x5d: {  	_ =	shalt  }
0x5e: {  	_ =	shalt  }
0x5f: {  	_ =	shalt  }
0x60: {  	_ =	shalt  }
0x61: {  	_ =	shalt  }
0x62: {  	_ =	shalt  }
0x63: {  	_ =	shalt  }
0x64: {  	_ =	shalt  }
0x65: {  	_ =	shalt  }
0x66: {  	_ =	shalt  }
0x67: {  	_ =	shalt  }
0x68: {  	_ =	shalt  }
0x69: {  	_ =	shalt  }
0x6a: {  	_ =	shalt  }
0x6b: {  	_ =	shalt  }
0x6c: {  	_ =	shalt  }
0x6d: {  	_ =	shalt  }
0x6e: {  	_ =	shalt  }
0x6f: {  	_ =	shalt  }
0x70: {  	_ =	shalt  }
0x71: {  	_ =	shalt  }
0x72: {  	_ =	shalt  }
0x73: {  	_ =	shalt  }
0x74: {  	_ =	shalt  }
0x75: {  	_ =	shalt  }
0x76: {  	_ =	shalt  }
0x77: {  	_ =	shalt  }
0x78: {  	_ =	shalt  }
0x79: {  	_ =	shalt  }
0x7a: {  	_ =	shalt  }
0x7b: {  	_ =	shalt  }
0x7c: {  	_ =	shalt  }
0x7d: {  	_ =	shalt  }
0x7e: {  	_ =	shalt  }
0x7f: {  	_ =	shalt  }
0x80: {  	_ =	shalt  }
0x81: {  	_ =	shalt  }
0x82: {  	_ =	shalt  }
0x83: {  	_ =	shalt  }
0x84: {  	_ =	shalt  }
0x85: {  	_ =	shalt  }
0x86: {  	_ =	shalt  }
0x87: {  	_ =	shalt  }
.Lfunc_end0:
.L_simem_size_0:
called_computation.2_lowered:
.L_overlay_start_0:
0x88: {  	s2 =	sld [smem:$0x3FD9]  }
0x89: {  	s3 =	sld [smem:$0x3FFE];
	_ =	sdelay $0x1  }
0x8a: {  	s1 =	srdreg.scid  }
0x8b: {  	s0 =	sand.u32 $0x1, s1  }
0x8c: {  	s16 =	sshll.u32 s0, $0xA;
	s2 =	sadd.s32 s3, s2  }
0x8d: {  	s2 =	sadd.s32 s2, s16  }
0x8e: {  	[smem:$0x3FBF] =	sst s2  }
0x8f: {  	_ = 	snop  }
0x90: {  	(tm) =	ssettm $0x1  }
0x91: {  	s17 =	sld [smem:$0x3FFB];
	_ =	sdelay $0x3  }
0x92: {  	_ =	strace s17  }
0x93: {  	s2 =	sld [smem:$0x3FFC];
	_ =	sdelay $0x3  }
0x94: {  	_ =	strace s2  }
0x95: {  	s2 =	sld [smem:$0x3FFD];
	_ =	sdelay $0x3  }
0x96: {  	_ =	strace s2  }
0x97: {  	_ =	strace $0x8FFFFFFF  }
0x98: {  	s18 =	sld [smem:$0x3FDB];
	_ =	sdelay $0x1  }
0x99: {  	s19 =	simm.s32 $_scs_section_size  }
0x9a: {  	s4 =	simm.s32 $_size__tile_overlayer_lowered;
	s5 =	simm.s32 $_tile_overlayer_lowered  }
0x9b: {  	s22 =	simm.s32 $0x1BFF;
	s21 =	sshll.u32 s5, $0x1;
	s2 =	sadd.s32 s19, s18  }
0x9c: {  	s6 =	simm.s32 $0x0;
	s20 =	sshll.u32 s4, $0x1;
	s4 =	sadd.s32 s21, s2  }
0x9d: {  	[timem:s6], [sflag:s22] =	dma.local [hbm:s4], s20  }
0x9e: {  	_ =	swait.ge [sflag:s22], s20  }
0x9f: {  	s3 =	ssub.s32 $0x0, s20;
	[sflag:s22] =	ssyncset.done $0x0  }
0xa0: {  	[sflag:s22] =	ssyncadd.s32 s3;
	_ =	sdelay $0x1  }
0xa1: {  	s23 =	simm.s32 $0x1B8B  }
0xa2: {  	_ =	swait.ge [sflag:s23], $0x1  }
0xa3: {  	[sflag:s23] =	ssyncset.done $0x0  }
0xa4: {  	s25 =	simm.s32 $0x1B8E;
	s24 =	sld [smem:$0x3FFE];
	[sflag:s23] =	ssyncadd.s32 $0xFFFFFFFF  }
0xa5: {  	s26 =	simm.s32 $execute0_lowered;
	[smem:$0x3FD2] =	sst s25  }
0xa6: {  	s4 =	sshll.u32 s26, $0x1;
	_ =	strace $0x8000004C;
	[dreg:$0x1] =	wrdreg $0xFFFFFFFF  }
0xa7: {  	s28 =	simm.s32 $_size_execute0_lowered;
	s2 =	sadd.s32 s2, s4;
	[dreg:$0x0] =	wrdreg $0x0  }
0xa8: {  	s4 =	sshll.u32 s28, $0x1;
	[dreg:$0x2] =	wrdreg s2  }
0xa9: {  	[dreg:$0x3] =	wrdreg s4  }
0xaa: {  	[dreg:$0x4] =	wrdreg $0xC0  }
0xab: {  	_ =	task [dreg:s6], $0x5FFFF  }
0xac: {  	[dreg:$0x1] =	wrdreg $0xFFFFFFFF  }
0xad: {  	[dreg:$0x0] =	wrdreg $0x60  }
0xae: {  	[dreg:$0x2] =	wrdreg s24  }
0xaf: {  	[dreg:$0x3] =	wrdreg $0x10F000  }
0xb0: {  	[dreg:$0x4] =	wrdreg $0x9  }
0xb1: {  	_ =	task.clear_ibuf [dreg:s6], $0x5FFFF;
	_ =	strace $0x9000004C  }
0xb2: {  	s29 =	simm.s32 $0x9;
	_ =	strace $0x8000004E  }
0xb3: {  	_ =	swait.ge [sflag:s29], $0x1  }
0xb4: {  	[sflag:s29] =	ssyncadd.s32 $0xFFFFFFFF  }
0xb5: {  	_ =	strace $0x9000004E  }
0xb6: {  	_ =	sfence  }
0xb7: {  	s30 =	sld [smem:$0x0];
	_ =	sdelay $0x2  }
0xb8: {  	s31 =	sshll.u32 s1, $0xD;
	s1 =	sshrl.u32 s1, $0x2  }
0xb9: {  	s3 =	sand.u32 $0x4000, s31;
	s1 =	sadd.s32 s1, s30  }
0xba: {  	s0 =	sor.u32 s3, s0;
	s1 =	sshll.u32 s1, $0x11  }
0xbb: {  	s0 =	sor.u32 s1, s0  }
0xbc: {  	s0 =	sadd.s32 $0x8F2B, s0  }
0xbd: {  	[sflag:s0] =	ssyncadd.remote.s32 $0x1  }
0xbe: {  	_ =	sfence.sel $0xFFFF  }
0xbf: {  	[dreg:$0x0] =	wrdreg $0xFFFFFFFF;
	(pc) =	sbr.abs _section_cstart, $3  }
0xc0: {  	[dreg:$0x1] =	wrdreg $0xFFFFFFFF  }
0xc1: {  	_ =	task.clear_ibuf [dreg:s6], $0x2FFFF;
	_ =	strace $0x9FFFFFFF  }
0xc2: {  	(tm) =	ssettm $0x7FFFFFFF  }
0xc3: {  	_ =	shalt  }
tec
execute0_lowered:
.L_overlay_start_1:
0x0: {  	(tag) =	ssettag $0x1  }
0x1: {  	s6 =	rddreg [dreg:$0x0]  }
0x2: {  	s2 =	rddreg [dreg:$0x1];
	s3 =	srdreg.scid  }
0x3: {  	s0 =	rddreg [dreg:$0x2];
	s1 =	stileid.u32  }
0x4: {  	s13 =	simm.s32 $0x2880;
	s14 =	simm.s32 $0x80;
	s15 =	simm.s32 $0x5100  }
0x5: {  	s16 =	simm.s32 $0x1;
	s19 =	simm.s32 $0x0;
	s5 =	sand.u32 $0x1, s3  }
0x6: {  	s3 =	simm.s32 $0x0;
	s7 =	smul.u32 $0x9E00, s1;
	s17 =	sshll.u32 s1, $0x6  }
0x7: {  	s4 =	sshll.u32 s5, $0x4;
	[smem:$0x7FF] =	sst s3;
	s8 =	smul.u32 $0x9E000, s5  }
0x8: {  	s10 =	ssub.s32 $0x2, s5;
	s5 =	sadd.s32 $0xB000, s6;
	s17 =	sor.u32 $0x1C02, s17  }
0x9: {  	s4 =	sor.u32 s1, s4;
	_ =	strace $0x8000004D;
	s11 =	sshrl.u32 s10, $0x1  }
0xa: {  	s9 =	smul.u32 $0x510, s4;
	s4 =	sadd.s32 $0x1F800, s6;
	s8 =	sadd.s32 s7, s8  }
0xb: {  	s10 =	ssub.s32 s10, s11;
	s11 =	simm.s32 $0x7100;
	s8 =	sshrl.u32 s8, $0x3  }
0xc: {  	s10 =	smax.u32 s10, $0x1;
	s9 =	sadd.s32 s9, s6;
	s12 =	sadd.s32 s8, s6  }
0xd: {  	s6 =	sadd.s32 s7, s2;
	s7 =	sadd.s32 $0x15600, s9;
	s8 =	sadd.s32 $0xE00, s9  }
0xe: {  	s9 =	sadd.s32 $0x33400, s12;
	s12 =	simm.s32 $0x2;
	s18 =	sshrl.u32 s6, $0x3  }
.LBB2_1:
0xf: {  	[tilespmem:s11], [sflag:$0x2] =	stream.linear.gather [hbm4b:s5+s3], $0x9E00, $0x38;
	[tilespmem:$0x1AD00] =	vst v63  }
0x10: {  	_ =	swait.ge [sflag:s12], $0x9E00  }
0x11: {  	[sflag:s12] =	ssyncset.done $0x0  }
0x12: {  	[sflag:s12] =	ssyncadd.s32 $0xFFFF6200  }
0x13: {  	[spmem:s6] =	stream.linear.scatter [tilespmem:s11], [sflag:$0x2], $0x9E00, $0x38;
	[tilespmem:$0x1AD00] =	vst v63  }
0x14: {  	_ =	swait.ge [sflag:s12], $0x9E00  }
0x15: {  	[sflag:s12] =	ssyncset.done $0x0  }
0x16: {  	[sflag:s12] =	ssyncadd.s32 $0xFFFF6200  }
0x17: {  	[tilespmem:s3], [sflag:$0x2] =	stream.linear.gather [hbm4b:s7+s3], $0x2880, $0x38;
	[tilespmem:$0x1AD00] =	vst v63  }
0x18: {  	_ =	swait.ge [sflag:s12], $0x2880  }
0x19: {  	[sflag:s12] =	ssyncset.done $0x0  }
0x1a: {  	[sflag:s12] =	ssyncadd.s32 $0xFFFFD780  }
0x1b: {  	[tilespmem:s13], [sflag:$0x2] =	stream.linear.gather [hbm4b:s8+s3], $0x2880, $0x38;
	[tilespmem:$0x1AD00] =	vst v63  }
0x1c: {  	_ =	swait.ge [sflag:s12], $0x2880  }
0x1d: {  	[sflag:s12] =	ssyncset.done $0x0  }
0x1e: {  	[sflag:s12] =	ssyncadd.s32 $0xFFFFD780  }
0x1f: {  	s20 =	simm.s32 $0x0;
	[bflag:$0x0] =	sbarrier.arrive $0xFFFF  }
0x20: {  	[tilespmem:s15], [sflag:$0x1] =	stream.indirect.gather [hbm4b:s4+s14], $0x40, s20, s14, $0xb8;
	[tilespmem:$0x1AD00] =	vst v63  }
0x21: {  	_ =	swait.ge [sflag:s16], $0x2000  }
0x22: {  	[sflag:s16] =	ssyncset.done $0x0  }
0x23: {  	s31 =	simm.s32 $0x2880;
	[sflag:s16] =	ssyncadd.s32 $0xFFFFE000  }
0x24: {  	[spmem:s2] =	stream.indirect.scatter.add.f32 [tilespmem:s15], [sflag:$0x2], $0x40, s31, s14, $0xb8;
	[tilespmem:$0x1AD00] =	vst v63  }
0x25: {  	_ =	swait.ge [sflag:s12], $0x2000  }
0x26: {  	s21 =	simm.s32 $0x400;
	s20 =	simm.s32 $0x200;
	[sflag:s12] =	ssyncset.done $0x0  }
.LBB2_2:
0x27: {  	s22 =	sshra.s32 s20, $0x2  }
0x28: {  	[sflag:s12] =	ssyncadd.s32 $0xFFFFE000;
	s20 =	smov.u32 s21;
	s23 =	sadd.s32 $0x200, s21  }
0x29: {  	[tilespmem:s15], [sflag:$0x1] =	stream.indirect.gather [hbm4b:s4+s14], $0x40, s22, s14, $0xb8;
	[tilespmem:$0x1AD00] =	vst v63  }
0x2a: {  	p0 =	sne.s32 s21, $0xA000;
	_ =	swait.ge [sflag:s16], $0x2000  }
.Ltmp0:
0x2b: {  	[sflag:s16] =	ssyncset.done $0x0;
	(pc) =	sbr.rel @p0 .LBB2_2-.Ltmp0, $4  }
0x2c: {  	s21 =	sadd.s32 $0x2880, s22;
	[sflag:s16] =	ssyncadd.s32 $0xFFFFE000  }
0x2d: {  	[spmem:s2] =	stream.indirect.scatter.add.f32 [tilespmem:s15], [sflag:$0x2], $0x40, s21, s14, $0xb8;
	[tilespmem:$0x1AD00] =	vst v63  }
0x2e: {  	_ =	swait.ge [sflag:s12], $0x2000  }
0x2f: {  	s21 =	smov.u32 s23;
	[sflag:s12] =	ssyncset.done $0x0  }
0x30: {  	s20 =	sshra.s32 s20, $0x2;
	[sflag:s12] =	ssyncadd.s32 $0xFFFFE000  }
0x31: {  	[tilespmem:s15], [sflag:$0x1] =	stream.indirect.gather [hbm4b:s4+s14], $0x40, s20, s14, $0xb8;
	[tilespmem:$0x1AD00] =	vst v63  }
0x32: {  	_ =	swait.ge [sflag:s16], $0x2000  }
0x33: {  	[sflag:s16] =	ssyncset.done $0x0  }
0x34: {  	s20 =	sadd.s32 $0x2880, s20;
	[sflag:s16] =	ssyncadd.s32 $0xFFFFE000  }
0x35: {  	[spmem:s2] =	stream.indirect.scatter.add.f32 [tilespmem:s15], [sflag:$0x2], $0x40, s20, s14, $0xb8;
	[tilespmem:$0x1AD00] =	vst v63  }
0x36: {  	_ =	swait.ge [sflag:s12], $0x2000  }
0x37: {  	s19 =	sadd.s32 $0x1, s19;
	[sflag:s12] =	ssyncset.done $0x0  }
0x38: {  	p0 =	sne.s32 s19, s10;
	[sflag:s12] =	ssyncadd.s32 $0xFFFFE000  }
.Ltmp1:
0x39: {  	[bflag:$0x0] =	sbarrier.arrive $0xFFFF;
	(pc) =	sbr.rel @p0 .LBB2_1-.Ltmp1, $4  }
0x3a: {  	[hbm:s9], [sflag:s17] =	dma.local [spmem:s18], $0x13C0  }
0x3b: {  	_ =	swait.ge [sflag:s12], $0x13C0  }
0x3c: {  	[sflag:s12] =	ssyncset.done $0x0  }
0x3d: {  	[sflag:s12] =	ssyncadd.s32 $0xFFFFEC40  }
0x3e: {  	_ =	sfence.sel $0x180000  }
0x3f: {  	[bflag:$0x0] =	sbarrier.arrive $0xFFFF  }
0x40: {  	p0 =	sne.s32 s1, $0x0;
	_ =	strace $0x9000004D  }
0x41: {  	s0 =	sadd.s32 @!p0 $0x100000, s0;
	[bflag:$0x2] =	sbarrier.arrive $0xFFFF  }
0x42: {  	[sflag:s0] =	ssyncadd.tile.s32 @!p0 $0x1;
	_ =	shalt  }
.Lfunc_end2:
_tile_overlayer_lowered:
.L_overlay_start_2:
0x43: {  	(tag) =	ssettag $0x2  }
0x44: {  	s0 =	rddreg [dreg:$0x0];
	s2 =	stileid.u32  }
0x45: {  	s1 =	rddreg [dreg:$0x1];
	p0 =	sne.s32 s2, $0x0  }
0x46: {  	s3 =	rddreg [dreg:$0x2];
	[bflag:$0x3] =	sbarrier.arrive $0xFFFF;
	s2 =	simm.s32 @!p0 $0x1C02  }
0x47: {  	[timem:s3], [sflag:s2] =	dma.local @!p0 [hbm:s0], s1  }
0x48: {  	s0 =	simm.s32 @!p0 $0x2  }
0x49: {  	_ =	swait.ge @!p0 [sflag:s0], s1  }
0x4a: {  	s1 =	ssub.s32 @!p0 $0x0, s1;
	[sflag:s0] =	ssyncset.done @!p0 $0x0  }
0x4b: {  	[sflag:s0] =	ssyncadd.s32 @!p0 s1  }
0x4c: {  	[bflag:$0x3] =	sbarrier.arrive $0xFFFF  }
0x4d: {  	_ =	shalt  }

// kernel: kernel.8.cloned.1.call-start
scs
__scs_entry_jumppad:
0x0: {  	(pc) =	sbr.rel $0x88, $3  }
0x1: {  	(tag) =	ssettag $0x0;
	lr =	simm.s32 $0x1  }
0x2: {  	[smem:$0x3F98] =	sst lr;
	_ =	strace $0xD0000000  }
0x3: {  	_ = 	snop  }
0x4: {  	_ = 	snop  }
0x5: {  	_ = 	snop  }
0x6: {  	_ = 	snop  }
0x7: {  	_ = 	snop  }
__scs_overlays_trampoline_lowered:
0x8: {  	[smem:$0x3FA7] =	sst s0  }
0x9: {  	[smem:$0x3FA8] =	sst s1  }
0xa: {  	[smem:$0x3FA9] =	sst s2  }
0xb: {  	[smem:$0x3FAA] =	sst s3  }
0xc: {  	[smem:$0x3FAB] =	sst s4  }
0xd: {  	[smem:$0x3FAC] =	sst s5  }
0xe: {  	[smem:$0x3FAD] =	sst s6  }
0xf: {  	[smem:$0x3FAE] =	sst s7  }
0x10: {  	[smem:$0x3FAF] =	sst s8  }
0x11: {  	[smem:$0x3FB0] =	sst s9;
	s0 =	simm.s32 @!p0 $0x0  }
0x12: {  	s1 =	sld [smem:$0x3F96];
	s0 =	simm.s32 @p0 $0x1  }
0x13: {  	[smem:$0x3FB1] =	sst s0;
	s0 =	simm.s32 @!p1 $0x0  }
0x14: {  	s2 =	sld [smem:$0x3F95];
	s0 =	simm.s32 @p1 $0x1  }
0x15: {  	[smem:$0x3FB2] =	sst s0;
	s0 =	simm.s32 @!p2 $0x0  }
0x16: {  	s3 =	sld [smem:$0x3FDB];
	s0 =	simm.s32 @p2 $0x1  }
0x17: {  	s4 =	simm.s32 $0x1BF5;
	[smem:$0x3FB4] =	sst s0  }
0x18: {  	s0 =	sld [smem:$0x3F97];
	_ =	swait.ge [sflag:s4], $0x0  }
0x19: {  	s7 =	sld [smem:$0x3F98]  }
0x1a: {  	s8 =	sadd.s32 $0xFFFFE003, lr  }
0x1b: {  	s9 =	sadd.s32 $0xFFFFFEF7, lr;
	s5 =	simm.s32 $0xFFFFFFFF;
	p2 =	slt.u32 s8, $0xFFFFF086  }
0x1c: {  	p1 =	slt.u32 s9, $0xF7A;
	s5 =	simm.s32 @!p2 $0x0  }
0x1d: {  	s5 =	simm.s32 @p1 $0x1;
	p0 =	seq.s32 s7, s2  }
0x1e: {  	s7 =	smul.u32 @!p0 $0xF7A, s2;
	p2 =	seq.s32 @!p0 s5, $0x0  }
0x1f: {  	s9 =	smul.u32 $0xF7A, s1;
	s8 =	simm.s32 @!p0 $0x1BF5;
	p2 =	por !p2, p0  }
0x20: {  	[sflag:s8] =	ssyncset.s32 @!p0 $0xFFFFF086;
	s6 =	sadd.s32 @!p0 s3, s7;
	s7 =	simm.s32 @!p0 $0x108  }
0x21: {  	s3 =	sadd.s32 s3, s9;
	s6 =	sadd.s32 @!p0 $0x88, s6;
	s7 =	simm.s32 @p2 $0x1082  }
0x22: {  	[simem:s7], [sflag:s8] =	dma.local @!p0 [hbm:s6], $0xF7A  }
0x23: {  	s9 =	sor.u32 $0xD0000000, s2;
	s6 =	simm.s32 $0x108;
	_ =	swait.ge @!p0 [sflag:s8], $0x0  }
0x24: {  	s3 =	sadd.s32 $0x88, s3;
	s6 =	simm.s32 @!p1 $0x1082;
	[sflag:s4] =	ssyncset.s32 $0xFFFFF086  }
0x25: {  	[simem:s6], [sflag:s4] =	dma.local [hbm:s3], $0xF7A  }
0x26: {  	[smem:$0x3F98] =	sst s1;
	(tag) =	ssettag s2;
	_ =	strace s9  }
0x27: {  	s1 =	sld [smem:$0x3FA8]  }
0x28: {  	s2 =	sld [smem:$0x3FA9]  }
0x29: {  	s4 =	sld [smem:$0x3FAB]  }
0x2a: {  	p0 =	seq.s32 s5, $0x0;
	s5 =	sld [smem:$0x3FAC]  }
0x2b: {  	s6 =	sld [smem:$0x3FAD]  }
0x2c: {  	s7 =	sld [smem:$0x3FAE]  }
0x2d: {  	s3 =	simm.s32 $0x108;
	s8 =	sld [smem:$0x3FAF]  }
0x2e: {  	s3 =	simm.s32 @!p0 $0x1082;
	s9 =	sld [smem:$0x3FB0]  }
0x2f: {  	lr =	sadd.s32 s0, s3;
	s0 =	sld [smem:$0x3FA7]  }
0x30: {  	s3 =	sld [smem:$0x3FAA]  }
0x31: {  	[smem:$0x3FB3] =	sst s10  }
0x32: {  	s10 =	sld [smem:$0x3FB1];
	_ =	sdelay $0x3  }
0x33: {  	p0 =	seq.s32 s10, $0x1;
	s10 =	sld [smem:$0x3FB3];
	_ =	sdelay $0x3  }
0x34: {  	[smem:$0x3FB3] =	sst s10  }
0x35: {  	s10 =	sld [smem:$0x3FB2];
	_ =	sdelay $0x3  }
0x36: {  	p1 =	seq.s32 s10, $0x1;
	s10 =	sld [smem:$0x3FB3];
	_ =	sdelay $0x3  }
0x37: {  	[smem:$0x3FB3] =	sst s10  }
0x38: {  	s10 =	sld [smem:$0x3FB4]  }
0x39: {  	_ = 	snop;
	(pc) =	sbr.ind lr, $3  }
0x3a: {  	_ = 	snop  }
0x3b: {  	_ = 	snop  }
0x3c: {  	p2 =	seq.s32 s10, $0x1;
	s10 =	sld [smem:$0x3FB3]  }
0x3d: {  	_ =	shalt  }
0x3e: {  	_ =	shalt  }
0x3f: {  	_ =	shalt  }
0x40: {  	_ =	shalt  }
0x41: {  	_ =	shalt  }
0x42: {  	_ =	shalt  }
0x43: {  	_ =	shalt  }
0x44: {  	_ =	shalt  }
0x45: {  	_ =	shalt  }
0x46: {  	_ =	shalt  }
0x47: {  	_ =	shalt  }
0x48: {  	_ =	shalt  }
0x49: {  	_ =	shalt  }
0x4a: {  	_ =	shalt  }
0x4b: {  	_ =	shalt  }
0x4c: {  	_ =	shalt  }
0x4d: {  	_ =	shalt  }
0x4e: {  	_ =	shalt  }
0x4f: {  	_ =	shalt  }
0x50: {  	_ =	shalt  }
0x51: {  	_ =	shalt  }
0x52: {  	_ =	shalt  }
0x53: {  	_ =	shalt  }
0x54: {  	_ =	shalt  }
0x55: {  	_ =	shalt  }
0x56: {  	_ =	shalt  }
0x57: {  	_ =	shalt  }
0x58: {  	_ =	shalt  }
0x59: {  	_ =	shalt  }
0x5a: {  	_ =	shalt  }
0x5b: {  	_ =	shalt  }
0x5c: {  	_ =	shalt  }
0x5d: {  	_ =	shalt  }
0x5e: {  	_ =	shalt  }
0x5f: {  	_ =	shalt  }
0x60: {  	_ =	shalt  }
0x61: {  	_ =	shalt  }
0x62: {  	_ =	shalt  }
0x63: {  	_ =	shalt  }
0x64: {  	_ =	shalt  }
0x65: {  	_ =	shalt  }
0x66: {  	_ =	shalt  }
0x67: {  	_ =	shalt  }
0x68: {  	_ =	shalt  }
0x69: {  	_ =	shalt  }
0x6a: {  	_ =	shalt  }
0x6b: {  	_ =	shalt  }
0x6c: {  	_ =	shalt  }
0x6d: {  	_ =	shalt  }
0x6e: {  	_ =	shalt  }
0x6f: {  	_ =	shalt  }
0x70: {  	_ =	shalt  }
0x71: {  	_ =	shalt  }
0x72: {  	_ =	shalt  }
0x73: {  	_ =	shalt  }
0x74: {  	_ =	shalt  }
0x75: {  	_ =	shalt  }
0x76: {  	_ =	shalt  }
0x77: {  	_ =	shalt  }
0x78: {  	_ =	shalt  }
0x79: {  	_ =	shalt  }
0x7a: {  	_ =	shalt  }
0x7b: {  	_ =	shalt  }
0x7c: {  	_ =	shalt  }
0x7d: {  	_ =	shalt  }
0x7e: {  	_ =	shalt  }
0x7f: {  	_ =	shalt  }
0x80: {  	_ =	shalt  }
0x81: {  	_ =	shalt  }
0x82: {  	_ =	shalt  }
0x83: {  	_ =	shalt  }
0x84: {  	_ =	shalt  }
0x85: {  	_ =	shalt  }
0x86: {  	_ =	shalt  }
0x87: {  	_ =	shalt  }
.Lfunc_end0:
.L_simem_size_0:
called_computation_lowered:
.L_overlay_start_0:
0x88: {  	s2 =	sld [smem:$0x3FD9]  }
0x89: {  	s3 =	sld [smem:$0x3FFE];
	_ =	sdelay $0x1  }
0x8a: {  	s1 =	srdreg.scid  }
0x8b: {  	s0 =	sand.u32 $0x1, s1  }
0x8c: {  	s16 =	sshll.u32 s0, $0xA;
	s2 =	sadd.s32 s3, s2  }
0x8d: {  	s2 =	sadd.s32 s2, s16  }
0x8e: {  	[smem:$0x3FBF] =	sst s2  }
0x8f: {  	_ = 	snop  }
0x90: {  	(tm) =	ssettm $0x1  }
0x91: {  	s17 =	sld [smem:$0x3FFB];
	_ =	sdelay $0x3  }
0x92: {  	_ =	strace s17  }
0x93: {  	s2 =	sld [smem:$0x3FFC];
	_ =	sdelay $0x3  }
0x94: {  	_ =	strace s2  }
0x95: {  	s2 =	sld [smem:$0x3FFD];
	_ =	sdelay $0x3  }
0x96: {  	_ =	strace s2  }
0x97: {  	_ =	strace $0x8FFFFFFF  }
0x98: {  	s18 =	sld [smem:$0x3FDB];
	_ =	sdelay $0x1  }
0x99: {  	s19 =	simm.s32 $_scs_section_size  }
0x9a: {  	s4 =	simm.s32 $_size__tile_overlayer_lowered;
	s5 =	simm.s32 $_tile_overlayer_lowered  }
0x9b: {  	s22 =	simm.s32 $0x1BFF;
	s21 =	sshll.u32 s5, $0x1;
	s2 =	sadd.s32 s19, s18  }
0x9c: {  	s6 =	simm.s32 $0x0;
	s20 =	sshll.u32 s4, $0x1;
	s4 =	sadd.s32 s21, s2  }
0x9d: {  	[timem:s6], [sflag:s22] =	dma.local [hbm:s4], s20  }
0x9e: {  	_ =	swait.ge [sflag:s22], s20  }
0x9f: {  	s3 =	ssub.s32 $0x0, s20;
	[sflag:s22] =	ssyncset.done $0x0  }
0xa0: {  	[sflag:s22] =	ssyncadd.s32 s3;
	_ =	sdelay $0x1  }
0xa1: {  	s23 =	simm.s32 $0x1B8B  }
0xa2: {  	_ =	swait.ge [sflag:s23], $0x1  }
0xa3: {  	[sflag:s23] =	ssyncset.done $0x0  }
0xa4: {  	s25 =	simm.s32 $0x1B8E;
	s24 =	sld [smem:$0x3FFE];
	[sflag:s23] =	ssyncadd.s32 $0xFFFFFFFF  }
0xa5: {  	s26 =	simm.s32 $execute0_lowered;
	[smem:$0x3FD2] =	sst s25  }
0xa6: {  	s4 =	sshll.u32 s26, $0x1;
	_ =	strace $0x80000046;
	[dreg:$0x1] =	wrdreg $0xFFFFFFFF  }
0xa7: {  	s28 =	simm.s32 $_size_execute0_lowered;
	s2 =	sadd.s32 s2, s4;
	[dreg:$0x0] =	wrdreg $0x0  }
0xa8: {  	s4 =	sshll.u32 s28, $0x1;
	[dreg:$0x2] =	wrdreg s2  }
0xa9: {  	[dreg:$0x3] =	wrdreg s4  }
0xaa: {  	[dreg:$0x4] =	wrdreg $0xC0  }
0xab: {  	_ =	task [dreg:s6], $0x5FFFF  }
0xac: {  	[dreg:$0x1] =	wrdreg $0xFFFFFFFF  }
0xad: {  	[dreg:$0x0] =	wrdreg $0x60  }
0xae: {  	[dreg:$0x2] =	wrdreg s24  }
0xaf: {  	[dreg:$0x3] =	wrdreg $0x58000  }
0xb0: {  	[dreg:$0x4] =	wrdreg $0x9  }
0xb1: {  	_ =	task.clear_ibuf [dreg:s6], $0x5FFFF;
	_ =	strace $0x90000046  }
0xb2: {  	s29 =	simm.s32 $0x9;
	_ =	strace $0x80000048  }
0xb3: {  	_ =	swait.ge [sflag:s29], $0x1  }
0xb4: {  	[sflag:s29] =	ssyncadd.s32 $0xFFFFFFFF  }
0xb5: {  	_ =	strace $0x90000048  }
0xb6: {  	_ =	sfence  }
0xb7: {  	s30 =	sld [smem:$0x0];
	_ =	sdelay $0x2  }
0xb8: {  	s31 =	sshll.u32 s1, $0xD;
	s1 =	sshrl.u32 s1, $0x2  }
0xb9: {  	s3 =	sand.u32 $0x4000, s31;
	s1 =	sadd.s32 s1, s30  }
0xba: {  	s0 =	sor.u32 s3, s0;
	s1 =	sshll.u32 s1, $0x11  }
0xbb: {  	s0 =	sor.u32 s1, s0  }
0xbc: {  	s0 =	sadd.s32 $0x8F2B, s0  }
0xbd: {  	[sflag:s0] =	ssyncadd.remote.s32 $0x1  }
0xbe: {  	_ =	sfence.sel $0xFFFF  }
0xbf: {  	[dreg:$0x0] =	wrdreg $0xFFFFFFFF;
	(pc) =	sbr.abs _section_cstart, $3  }
0xc0: {  	[dreg:$0x1] =	wrdreg $0xFFFFFFFF  }
0xc1: {  	_ =	task.clear_ibuf [dreg:s6], $0x2FFFF;
	_ =	strace $0x9FFFFFFF  }
0xc2: {  	(tm) =	ssettm $0x7FFFFFFF  }
0xc3: {  	_ =	shalt  }
tec
execute0_lowered:
.L_overlay_start_1:
0x0: {  	(tag) =	ssettag $0x1  }
0x1: {  	s0 =	srdreg.scid;
	s6 =	rddreg [dreg:$0x0]  }
0x2: {  	s2 =	rddreg [dreg:$0x1];
	s3 =	simm.s32 $0x0;
	s12 =	simm.s32 $0x2880  }
0x3: {  	s13 =	simm.s32 $0x80;
	s4 =	sand.u32 $0x1, s0;
	s0 =	stileid.u32  }
0x4: {  	s16 =	simm.s32 $0x0;
	[smem:$0x7FF] =	sst s3;
	s7 =	smul.u32 $0x2780, s0  }
0x5: {  	s1 =	sshll.u32 s4, $0x4;
	s8 =	smul.u32 $0x27800, s4;
	s31 =	ssub.s32 $0x2, s4  }
0x6: {  	s4 =	sadd.s32 $0xB600, s6;
	s14 =	sshll.u32 s0, $0x6;
	s1 =	sor.u32 s0, s1  }
0x7: {  	s11 =	sshrl.u32 s31, $0x1;
	s14 =	sor.u32 $0x1C01, s14;
	s5 =	smul.u32 $0x510, s1  }
0x8: {  	s1 =	rddreg [dreg:$0x2];
	_ =	strace $0x80000047;
	s30 =	sadd.s32 s7, s8  }
0x9: {  	s11 =	ssub.s32 s31, s11;
	s10 =	sshrl.u32 s30, $0x3;
	s9 =	sadd.s32 s5, s6  }
0xa: {  	s5 =	sadd.s32 $0xB000, s6;
	s10 =	sadd.s32 s10, s6;
	s6 =	sadd.s32 s7, s2  }
0xb: {  	s7 =	sadd.s32 $0xE00, s9;
	s8 =	sadd.s32 $0xB800, s10;
	s9 =	smax.u32 s11, $0x1  }
0xc: {  	s10 =	simm.s32 $0x3080;
	s11 =	simm.s32 $0x1;
	s15 =	sshrl.u32 s6, $0x3  }
.LBB2_1:
0xd: {  	[tilespmem:s10], [sflag:$0x1] =	stream.linear.gather [hbm4b:s5+s3], $0x2780, $0x38;
	[tilespmem:$0x7F80] =	vst v63  }
0xe: {  	_ =	swait.ge [sflag:s11], $0x2780  }
0xf: {  	[sflag:s11] =	ssyncset.done $0x0  }
0x10: {  	[sflag:s11] =	ssyncadd.s32 $0xFFFFD880  }
0x11: {  	[spmem:s6] =	stream.linear.scatter [tilespmem:s10], [sflag:$0x1], $0x2780, $0x38;
	[tilespmem:$0x7F80] =	vst v63  }
0x12: {  	_ =	swait.ge [sflag:s11], $0x2780  }
0x13: {  	[sflag:s11] =	ssyncset.done $0x0  }
0x14: {  	[sflag:s11] =	ssyncadd.s32 $0xFFFFD880  }
0x15: {  	[tilespmem:s3], [sflag:$0x1] =	stream.linear.gather [hbm4b:s7+s3], $0x2880, $0x38;
	[tilespmem:$0x7F80] =	vst v63  }
0x16: {  	_ =	swait.ge [sflag:s11], $0x2880  }
0x17: {  	[sflag:s11] =	ssyncset.done $0x0  }
0x18: {  	[sflag:s11] =	ssyncadd.s32 $0xFFFFD780  }
0x19: {  	[tilespmem:s12], [sflag:$0x1] =	stream.linear.gather [hbm4b:s4+s3], $0x800, $0x38;
	[tilespmem:$0x7F80] =	vst v63  }
0x1a: {  	_ =	swait.ge [sflag:s11], $0x800  }
0x1b: {  	[sflag:s11] =	ssyncset.done $0x0  }
0x1c: {  	[sflag:s11] =	ssyncadd.s32 $0xFFFFF800  }
0x1d: {  	s17 =	simm.s32 $0x0;
	[bflag:$0x0] =	sbarrier.arrive $0xFFFF  }
0x1e: {  	[spmem:s2] =	stream.indirect.scatter.add.f32 [tilespmem:s12], [sflag:$0x1], $0x10, s17, s13, $0xb8;
	[tilespmem:$0x7F80] =	vst v63  }
0x1f: {  	_ =	swait.ge [sflag:s11], $0x800  }
0x20: {  	s17 =	simm.s32 $0x200;
	[sflag:s11] =	ssyncset.done $0x0  }
.LBB2_2:
0x21: {  	s18 =	sshra.s32 s17, $0x2;
	[sflag:s11] =	ssyncadd.s32 $0xFFFFF800;
	p0 =	sne.s32 s17, $0xA000  }
0x22: {  	[spmem:s2] =	stream.indirect.scatter.add.f32 [tilespmem:s12], [sflag:$0x1], $0x10, s18, s13, $0xb8;
	[tilespmem:$0x7F80] =	vst v63  }
.Ltmp0:
0x23: {  	_ = 	snop;
	(pc) =	sbr.rel @p0 .LBB2_2-.Ltmp0, $4  }
0x24: {  	_ = 	snop  }
0x25: {  	s17 =	sadd.s32 $0x200, s17  }
0x26: {  	_ =	swait.ge [sflag:s11], $0x800  }
0x27: {  	[sflag:s11] =	ssyncset.done $0x0  }
0x28: {  	s16 =	sadd.s32 $0x1, s16  }
0x29: {  	[sflag:s11] =	ssyncadd.s32 $0xFFFFF800;
	p0 =	sne.s32 s16, s9  }
.Ltmp1:
0x2a: {  	[bflag:$0x0] =	sbarrier.arrive $0xFFFF;
	(pc) =	sbr.rel @p0 .LBB2_1-.Ltmp1, $4  }
0x2b: {  	[hbm:s8], [sflag:s14] =	dma.local [spmem:s15], $0x4F0  }
0x2c: {  	_ =	swait.ge [sflag:s11], $0x4F0  }
0x2d: {  	[sflag:s11] =	ssyncset.done $0x0  }
0x2e: {  	[sflag:s11] =	ssyncadd.s32 $0xFFFFFB10  }
0x2f: {  	_ =	sfence.sel $0x180000  }
0x30: {  	[bflag:$0x0] =	sbarrier.arrive $0xFFFF  }
0x31: {  	p0 =	sne.s32 s0, $0x0;
	_ =	strace $0x90000047  }
0x32: {  	s0 =	sadd.s32 @!p0 $0x100000, s1;
	[bflag:$0x2] =	sbarrier.arrive $0xFFFF  }
0x33: {  	[sflag:s0] =	ssyncadd.tile.s32 @!p0 $0x1;
	_ =	shalt  }
.Lfunc_end2:
_tile_overlayer_lowered:
.L_overlay_start_2:
0x34: {  	(tag) =	ssettag $0x2  }
0x35: {  	s0 =	rddreg [dreg:$0x0];
	s2 =	stileid.u32  }
0x36: {  	s1 =	rddreg [dreg:$0x1];
	p0 =	sne.s32 s2, $0x0  }
0x37: {  	s3 =	rddreg [dreg:$0x2];
	[bflag:$0x3] =	sbarrier.arrive $0xFFFF;
	s2 =	simm.s32 @!p0 $0x1C01  }
0x38: {  	[timem:s3], [sflag:s2] =	dma.local @!p0 [hbm:s0], s1  }
0x39: {  	s0 =	simm.s32 @!p0 $0x1  }
0x3a: {  	_ =	swait.ge @!p0 [sflag:s0], s1  }
0x3b: {  	s1 =	ssub.s32 @!p0 $0x0, s1;
	[sflag:s0] =	ssyncset.done @!p0 $0x0  }
0x3c: {  	[sflag:s0] =	ssyncadd.s32 @!p0 s1  }
0x3d: {  	[bflag:$0x3] =	sbarrier.arrive $0xFFFF  }
0x3e: {  	_ =	shalt  }

</sc_bundles>
